<compile_context>
chip_gen: v7x
topology: tpu7x:2x2x1
jax: 0.10.2.dev20260603
libtpu: 0.0.44.dev20260713+nightly
codegen_flags: <defaults>
</compile_context>

<pallas_src>
import functools

import jax
import jax.numpy as jnp
from jax import lax
from jax.experimental import pallas as pl
from jax.experimental.pallas import tpu as pltpu
from jax.experimental.pallas import tpu_sc as plsc

N = 8192
D = 64
E_SIG = 32768
E_RND = 65536
E_ALL = E_SIG + E_RND
K1 = 17
MARGIN = 1.0
R_MAX = 100.0

BR = 256
NSTRIPES = N // BR
NC2 = 2048
BE = 4096
NEBLK = E_ALL // BE


def _knn_body(emb_row_ref, emb_all_ref, pid_row_ref, pid_col_ref, out_ref,
              stripe_ref, cand_ref):
    i = pl.program_id(0)
    a = emb_row_ref[...]
    b = emb_all_ref[...]
    dots = jax.lax.dot_general(
        a, b, (((1,), (1,)), ((), ())),
        preferred_element_type=jnp.float32,
        precision=jax.lax.Precision.HIGHEST)
    sq_r = jnp.sum(a * a, axis=1, keepdims=True)
    sq_c = jax.lax.dot_general(
        jnp.ones((8, D), jnp.float32), b * b, (((1,), (1,)), ((), ())),
        preferred_element_type=jnp.float32,
        precision=jax.lax.Precision.HIGHEST)[:1]
    colio = jax.lax.broadcasted_iota(jnp.int32, (BR, N), 1)
    rowid = i * BR + jax.lax.broadcasted_iota(jnp.int32, (BR, 1), 0)
    pid_r = pid_row_ref[...]
    pid_c = pid_col_ref[...]
    pmi = jnp.where((pid_r == pid_c) & (pid_r != 0), 1, 0)
    packed = jax.lax.bitcast_convert_type(
        (jax.lax.bitcast_convert_type(
            jnp.maximum(sq_r + sq_c - 2.0 * dots, 0.0), jnp.int32) & -2)
        | pmi, jnp.float32)
    stripe_ref[...] = jnp.where(colio == rowid, jnp.float32(3.0e38), packed)

    def rowblk(rb, _):
        Rs = None
        for g in range(4):
            G = [stripe_ref[pl.ds(rb * 8, 8), pl.ds((g * 16 + t) * 128, 128)]
                 for t in range(16)]
            for k in (2, 4, 8, 16):
                j = k >> 1
                while j >= 1:
                    for idx in range(16):
                        l = idx ^ j
                        if l > idx:
                            a, b = G[idx], G[l]
                            lo = jnp.minimum(a, b)
                            hi = jnp.maximum(a, b)
                            if (idx & k) == 0:
                                G[idx], G[l] = lo, hi
                            else:
                                G[idx], G[l] = hi, lo
                    j >>= 1
            if Rs is None:
                Rs = G
            else:
                M = [jnp.minimum(Rs[t], G[15 - t]) for t in range(16)]
                if g < 3:
                    for j in (8, 4, 2, 1):
                        for idx in range(16):
                            l = idx ^ j
                            if l > idx:
                                a, b = M[idx], M[l]
                                M[idx], M[l] = (jnp.minimum(a, b),
                                                jnp.maximum(a, b))
                Rs = M
        for t in range(16):
            cand_ref[pl.ds(rb * 8, 8), pl.ds(t * 128, 128)] = Rs[t]
        return 0

    jax.lax.fori_loop(0, BR // 8, rowblk, 0)

    colio2 = jax.lax.broadcasted_iota(jnp.int32, (BR, NC2), 1)

    def _acc(vmin, num, den):
        pmv = jax.lax.bitcast_convert_type(vmin, jnp.int32) & 1
        d = jnp.sqrt(vmin + 1e-12)
        mf = jnp.where(d <= R_MAX, 1.0, 0.0)
        l = jnp.where(pmv == 1, d, jnp.maximum(0.0, MARGIN - d))
        return num + l * mf, den + mf

    def body(_, carry):
        num, den = carry
        s = cand_ref[...]
        vmin = jnp.min(s, axis=1, keepdims=True)
        amin = jnp.min(jnp.where(s == vmin, colio2, jnp.int32(NC2)),
                       axis=1, keepdims=True)
        cand_ref[...] = jnp.where(colio2 == amin, jnp.float32(3.0e38), s)
        return _acc(vmin, num, den)

    zero = jnp.zeros((BR, 1), jnp.float32)
    num, den = jax.lax.fori_loop(0, K1 - 2, body, (zero, zero))
    num, den = _acc(jnp.min(cand_ref[...], axis=1, keepdims=True), num, den)
    lane = jax.lax.broadcasted_iota(jnp.int32, (1, 1, 128), 2)
    out_ref[...] = jnp.where(lane == 0, jnp.sum(num),
                             jnp.where(lane == 1, jnp.sum(den), 0.0))


def _edge_body(es_ref, ed_ref, wsig_ref, hs_ref, pid_ref, out_ref):
    i = pl.program_id(0)
    es = es_ref[...]
    ed = ed_ref[...]
    laneio = jax.lax.broadcasted_iota(jnp.int32, (BE, DP), 1)
    diff = jnp.where(laneio < D, es - ed, 0.0)
    d = jnp.sqrt(jnp.sum(diff * diff, axis=1, keepdims=True) + 1e-12)
    ps = jax.lax.bitcast_convert_type(es[:, D:D + 1], jnp.int32)
    pd = jax.lax.bitcast_convert_type(ed[:, D:D + 1], jnp.int32)
    y = (ps == pd) & (ps != 0)
    l = jnp.where(y, d, jnp.maximum(0.0, MARGIN - d))
    w = wsig_ref[...]
    ssum = jnp.sum(l * w)
    rsum = jnp.sum(l * (1.0 - w))

    def beta():
        x = hs_ref[...]
        t = jnp.where(pid_ref[...] != 0, 1.0, 0.0)
        bce = (jnp.maximum(x, 0.0) - x * t
               + jnp.log1p(jnp.exp(-jnp.abs(x))))
        return jnp.sum(bce)

    bsum = jax.lax.cond(i == 0, beta, lambda: jnp.float32(0.0))
    lane = jax.lax.broadcasted_iota(jnp.int32, (1, 1, 128), 2)
    out_ref[...] = jnp.where(lane == 0, ssum,
                             jnp.where(lane == 1, rsum,
                                       jnp.where(lane == 2, bsum, 0.0)))


NW = 32
EPW = E_ALL // NW
ECH = 384
NCH = EPW // ECH
DP = 128


def _sc_gather_body(tab_hbm, src_hbm, dst_hbm, es_hbm, ed_hbm,
                    idxs_v, idxd_v, rows_s, rows_d, sem):
    wid = lax.axis_index("s") * 2 + lax.axis_index("c")

    def chunk(c, _):
        base = wid * EPW + c * ECH
        pltpu.sync_copy(src_hbm.at[pl.ds(base, ECH)], idxs_v)
        pltpu.sync_copy(dst_hbm.at[pl.ds(base, ECH)], idxd_v)
        cp1 = pltpu.async_copy(tab_hbm.at[idxs_v], rows_s, sem)
        cp2 = pltpu.async_copy(tab_hbm.at[idxd_v], rows_d, sem)
        cp1.wait()
        cp2.wait()
        pltpu.sync_copy(rows_s, es_hbm.at[pl.ds(base, ECH)])
        pltpu.sync_copy(rows_d, ed_hbm.at[pl.ds(base, ECH)])
        return 0

    lax.fori_loop(0, NCH, chunk, 0)


def _sc_gather(tab, src, dst):
    mesh = plsc.VectorSubcoreMesh(core_axis_name="c", subcore_axis_name="s")
    f = functools.partial(
        pl.kernel, mesh=mesh,
        out_type=[
            jax.ShapeDtypeStruct((E_ALL, DP), jnp.float32),
            jax.ShapeDtypeStruct((E_ALL, DP), jnp.float32),
        ],
        scratch_types=[
            pltpu.VMEM((ECH,), jnp.int32),
            pltpu.VMEM((ECH,), jnp.int32),
            pltpu.VMEM((ECH, DP), jnp.float32),
            pltpu.VMEM((ECH, DP), jnp.float32),
            pltpu.SemaphoreType.DMA,
        ],
    )(_sc_gather_body)
    return f(tab, src, dst)


@functools.partial(jax.jit, static_argnames=())
def kernel(embeddings, hit_score, hit_particle_id, signal_edges, random_edges):
    emb = embeddings.astype(jnp.float32)
    pid = hit_particle_id.astype(jnp.int32)
    pid_row = pid.reshape(N, 1)
    pid_col = pid.reshape(1, N)

    knn_part = pl.pallas_call(
        _knn_body,
        grid=(NSTRIPES,),
        in_specs=[
            pl.BlockSpec((BR, D), lambda i: (i, 0)),
            pl.BlockSpec((N, D), lambda i: (0, 0)),
            pl.BlockSpec((BR, 1), lambda i: (i, 0)),
            pl.BlockSpec((1, N), lambda i: (0, 0)),
        ],
        out_specs=pl.BlockSpec((1, 1, 128), lambda i: (i, 0, 0)),
        out_shape=jax.ShapeDtypeStruct((NSTRIPES, 1, 128), jnp.float32),
        scratch_shapes=[
            pltpu.VMEM((BR, N), jnp.float32),
            pltpu.VMEM((BR, NC2), jnp.float32),
        ],
    )(emb, emb, pid_row, pid_col)

    src = jnp.concatenate([signal_edges[0], random_edges[0]]).astype(jnp.int32)
    dst = jnp.concatenate([signal_edges[1], random_edges[1]]).astype(jnp.int32)
    tab = jnp.concatenate(
        [emb, jax.lax.bitcast_convert_type(pid, jnp.float32).reshape(N, 1),
         jnp.zeros((N, DP - D - 1), jnp.float32)], axis=1)
    es, ed = _sc_gather(tab, src, dst)
    wsig = (jnp.arange(E_ALL) < E_SIG).astype(jnp.float32).reshape(E_ALL, 1)

    edge_part = pl.pallas_call(
        _edge_body,
        grid=(NEBLK,),
        in_specs=[
            pl.BlockSpec((BE, DP), lambda i: (i, 0)),
            pl.BlockSpec((BE, DP), lambda i: (i, 0)),
            pl.BlockSpec((BE, 1), lambda i: (i, 0)),
            pl.BlockSpec((N, 1), lambda i: (0, 0)),
            pl.BlockSpec((N, 1), lambda i: (0, 0)),
        ],
        out_specs=pl.BlockSpec((1, 1, 128), lambda i: (i, 0, 0)),
        out_shape=jax.ShapeDtypeStruct((NEBLK, 1, 128), jnp.float32),
    )(es, ed, wsig, hit_score.astype(jnp.float32).reshape(N, 1), pid_row)

    knn_num = jnp.sum(knn_part[:, 0, 0])
    knn_den = jnp.sum(knn_part[:, 0, 1])
    knn_loss = knn_num / jnp.maximum(knn_den, 1.0)
    sig_sum = jnp.sum(edge_part[:, 0, 0])
    rnd_sum = jnp.sum(edge_part[:, 0, 1])
    beta_sum = jnp.sum(edge_part[:, 0, 2])
    signal_loss = sig_sum / float(E_SIG)
    random_loss = rnd_sum / float(E_RND)
    beta_loss = beta_sum / float(N)
    total = signal_loss + knn_loss + random_loss + beta_loss
    return jnp.stack([total, signal_loss, knn_loss, random_loss, beta_loss])

# --- scband reference (transcript-rebuilt; emitter-appended) ---
"""Pipeline reference for scband-weighted-contrastive-18708877541910 (READ-ONLY COPY).

The authoritative reference and input builder live on the scoring server;
editing this copy changes nothing except your own understanding.
"""

import jax, jax.numpy as jnp
import numpy as np

N = 8192
D = 64
E_SIG = 32768
E_RND = 65536
K = 16
NPART = 1024
MARGIN = 1.0
R_MAX = 100.0


def setup_inputs(seed: int = 0) -> dict:
    key = jax.random.key(seed)
    k1, k2, k3, k4, k5 = jax.random.split(key, 5)
    embeddings = jax.random.normal(k1, (N, D), dtype=jnp.float32) * 0.1
    hit_score = jax.random.normal(k2, (N, 1), dtype=jnp.float32)
    hit_particle_id = jax.random.randint(k3, (N,), 0, NPART)
    signal_edges = jax.random.randint(k4, (2, E_SIG), 0, N)
    random_edges = jax.random.randint(k5, (2, E_RND), 0, N)
    return {
        'embeddings': embeddings,
        'hit_score': hit_score,
        'hit_particle_id': hit_particle_id,
        'signal_edges': signal_edges,
        'random_edges': random_edges,
    }


def _hinge_pair_loss(emb, pid, src, dst, margin, mask=None):
    # hinge embedding loss on euclidean distances; attract same-particle
    # (non-noise) pairs, repel others within margin. node weights = 1
    # (weighting_config is None in hparams).
    diff = emb[src] - emb[dst]
    d = jnp.sqrt(jnp.sum(diff * diff, axis=-1) + 1e-12)
    y = (pid[src] == pid[dst]) & (pid[src] != 0)
    l = jnp.where(y, d, jnp.maximum(0.0, margin - d))
    if mask is None:
        mask = jnp.ones_like(d)
    return jnp.sum(l * mask) / jnp.maximum(jnp.sum(mask), 1.0)


def reference(embeddings, hit_score, hit_particle_id, signal_edges, random_edges):
    pid = hit_particle_id
    # ---- signal_loss: hinge loss over provided truth-graph edges ----
    signal_loss = _hinge_pair_loss(embeddings, pid, signal_edges[0], signal_edges[1], MARGIN)

    # ---- knn_loss: brute-force kNN (cu_knn equivalent), hinge on candidate edges ----
    sq = jnp.sum(embeddings * embeddings, axis=-1)
    dist2 = sq[:, None] + sq[None, :] - 2.0 * (embeddings @ embeddings.T)
    dist2 = jax.lax.stop_gradient(dist2)
    _, nbr_idx = jax.lax.top_k(-dist2, K + 1)  # includes self
    src = jnp.repeat(jnp.arange(N), K + 1)
    dst = nbr_idx.reshape(-1)
    diff = embeddings[src] - embeddings[dst]
    d = jnp.sqrt(jnp.sum(diff * diff, axis=-1) + 1e-12)
    mask = ((dst != src) & (d <= R_MAX)).astype(jnp.float32)
    y = (pid[src] == pid[dst]) & (pid[src] != 0)
    l = jnp.where(y, d, jnp.maximum(0.0, MARGIN - d))
    knn_loss = jnp.sum(l * mask) / jnp.maximum(jnp.sum(mask), 1.0)

    # ---- random_loss: hinge loss over random pairs ----
    random_loss = _hinge_pair_loss(embeddings, pid, random_edges[0], random_edges[1], MARGIN)

    # ---- beta_loss: BCE-with-logits on hit_score vs (pid != 0), weight=1 ----
    logits = hit_score.reshape(-1)
    target = (pid != 0).astype(jnp.float32)
    w = jnp.ones_like(logits)
    bce = jnp.maximum(logits, 0.0) - logits * target + jnp.log1p(jnp.exp(-jnp.abs(logits)))
    beta_loss = jnp.sum(w * bce) / jnp.sum(w)

    total = signal_loss + knn_loss + random_loss + beta_loss
    return jnp.stack([total, signal_loss, knn_loss, random_loss, beta_loss])

if __name__ == "__main__":
    import jax
    _d = setup_inputs()
    print(jax.jit(kernel)(*tuple(_d.values())))

</pallas_src>

<mosaic_0001>
#map = affine_map<(d0, d1) -> (0, 0)>
#map1 = affine_map<(d0, d1) -> (0)>
module attributes {stable_mosaic.version = 14 : i64} {
  func.func @_sc_gather_body(%arg0: i32, %arg1: i32, %arg2: memref<8192x128xf32, #tpu.memory_space<hbm>>, %arg3: memref<98304xi32, #tpu.memory_space<hbm>>, %arg4: memref<98304xi32, #tpu.memory_space<hbm>>, %arg5: memref<98304x128xf32, #tpu.memory_space<hbm>>, %arg6: memref<98304x128xf32, #tpu.memory_space<hbm>>, %arg7: memref<384xi32, #tpu.memory_space<vmem>>, %arg8: memref<384xi32, #tpu.memory_space<vmem>>, %arg9: memref<384x128xf32, #tpu.memory_space<vmem>>, %arg10: memref<384x128xf32, #tpu.memory_space<vmem>>, %arg11: memref<!tpu.dma_semaphore, #tpu.memory_space<semaphore_mem>>) attributes {dimension_semantics = [#tpu.dimension_semantics<core_parallel>, #tpu.dimension_semantics<subcore_parallel>], iteration_bounds = array<i64: 2, 16>, scalar_prefetch = 0 : i64, scratch_operands = 5 : i64, tpu.core_type = #tpu.core_type<sc_vector_subcore>, window_params = [{transform_indices = #map}, {transform_indices = #map1}, {transform_indices = #map1}, {transform_indices = #map}, {transform_indices = #map}]} {
    %mul3A = arith.constant 2 : i32
    %mul3A_0 = arith.muli %arg1, %mul3A : i32
    %add3A = arith.addi %mul3A_0, %arg0 : i32
    %scan3A = arith.constant 0 : i32
    %scan3A_1 = arith.constant 0 : i32
    %scan3A_2 = arith.constant 8 : i32
    %scan3A_3 = arith.addi %scan3A_1, %scan3A_2 : i32
    %scan3A_4 = arith.constant 1 : i32
    %scan3A_5 = scf.for %scan3A_7 = %scan3A_1 to %scan3A_3 step %scan3A_4 iter_args(%scan3A_8 = %scan3A) -> (i32)  : i32 {
      %mul3A_9 = arith.constant 3072 : i32
      %mul3A_10 = arith.muli %add3A, %mul3A_9 : i32
      %mul3A_11 = arith.constant 384 : i32
      %mul3A_12 = arith.muli %scan3A_7, %mul3A_11 : i32
      %add3A_13 = arith.addi %mul3A_10, %mul3A_12 : i32
      "tpu.region"() ({
        %run_scoped3A = tpu.sem_alloc : memref<!tpu.dma_semaphore, #tpu.memory_space<semaphore_mem>>
        %dma_start3A_25 = tpu.memref_slice %arg3[%add3A_13] : memref<98304xi32, #tpu.memory_space<hbm>> -> memref<384xi32, #tpu.memory_space<hbm>>
        %dma_start3A_26 = tpu.memref_slice %arg3[%add3A_13] : memref<98304xi32, #tpu.memory_space<hbm>> -> memref<384xi32, #tpu.memory_space<hbm>>
        tpu.enqueue_dma source(%dma_start3A_26 : memref<384xi32, #tpu.memory_space<hbm>>) target(%arg7 : memref<384xi32, #tpu.memory_space<vmem>>) target_semaphore(%run_scoped3A : memref<!tpu.dma_semaphore, #tpu.memory_space<semaphore_mem>>)
        %dma_wait3A_27 = tpu.memref_slice %arg3[%add3A_13] : memref<98304xi32, #tpu.memory_space<hbm>> -> memref<384xi32, #tpu.memory_space<hbm>>
        %dma_wait3A_28 = tpu.memref_slice %arg3[%add3A_13] : memref<98304xi32, #tpu.memory_space<hbm>> -> memref<384xi32, #tpu.memory_space<hbm>>
        tpu.wait_dma2 semaphore(%run_scoped3A : memref<!tpu.dma_semaphore, #tpu.memory_space<semaphore_mem>>) src(%dma_wait3A_28 : memref<384xi32, #tpu.memory_space<hbm>>) dst(%arg7 : memref<384xi32, #tpu.memory_space<vmem>>)
        tpu.yield
      }) : () -> ()
      "tpu.region"() ({
        %run_scoped3A = tpu.sem_alloc : memref<!tpu.dma_semaphore, #tpu.memory_space<semaphore_mem>>
        %dma_start3A_25 = tpu.memref_slice %arg4[%add3A_13] : memref<98304xi32, #tpu.memory_space<hbm>> -> memref<384xi32, #tpu.memory_space<hbm>>
        %dma_start3A_26 = tpu.memref_slice %arg4[%add3A_13] : memref<98304xi32, #tpu.memory_space<hbm>> -> memref<384xi32, #tpu.memory_space<hbm>>
        tpu.enqueue_dma source(%dma_start3A_26 : memref<384xi32, #tpu.memory_space<hbm>>) target(%arg8 : memref<384xi32, #tpu.memory_space<vmem>>) target_semaphore(%run_scoped3A : memref<!tpu.dma_semaphore, #tpu.memory_space<semaphore_mem>>)
        %dma_wait3A_27 = tpu.memref_slice %arg4[%add3A_13] : memref<98304xi32, #tpu.memory_space<hbm>> -> memref<384xi32, #tpu.memory_space<hbm>>
        %dma_wait3A_28 = tpu.memref_slice %arg4[%add3A_13] : memref<98304xi32, #tpu.memory_space<hbm>> -> memref<384xi32, #tpu.memory_space<hbm>>
        tpu.wait_dma2 semaphore(%run_scoped3A : memref<!tpu.dma_semaphore, #tpu.memory_space<semaphore_mem>>) src(%dma_wait3A_28 : memref<384xi32, #tpu.memory_space<hbm>>) dst(%arg8 : memref<384xi32, #tpu.memory_space<vmem>>)
        tpu.yield
      }) : () -> ()
      %dma_start3A = arith.constant 0 : i32
      %dma_start3A_14 = arith.constant 0 : i32
      %dma_start3A_15 = tpu.memref_slice %arg2[%dma_start3A, %dma_start3A_14] : memref<8192x128xf32, #tpu.memory_space<hbm>> -> memref<8192x128xf32, #tpu.memory_space<hbm>>
      tpu.enqueue_indirect_dma source(%dma_start3A_15 : memref<8192x128xf32, #tpu.memory_space<hbm>>) target(%arg9 : memref<384x128xf32, #tpu.memory_space<vmem>>) offsets(%arg7 : memref<384xi32, #tpu.memory_space<vmem>>) semaphore(%arg11 : memref<!tpu.dma_semaphore, #tpu.memory_space<semaphore_mem>>)
      %dma_start3A_16 = arith.constant 0 : i32
      %dma_start3A_17 = arith.constant 0 : i32
      %dma_start3A_18 = tpu.memref_slice %arg2[%dma_start3A_16, %dma_start3A_17] : memref<8192x128xf32, #tpu.memory_space<hbm>> -> memref<8192x128xf32, #tpu.memory_space<hbm>>
      tpu.enqueue_indirect_dma source(%dma_start3A_18 : memref<8192x128xf32, #tpu.memory_space<hbm>>) target(%arg10 : memref<384x128xf32, #tpu.memory_space<vmem>>) offsets(%arg8 : memref<384xi32, #tpu.memory_space<vmem>>) semaphore(%arg11 : memref<!tpu.dma_semaphore, #tpu.memory_space<semaphore_mem>>)
      %dma_wait3A = arith.constant 0 : i32
      %dma_wait3A_19 = arith.constant 0 : i32
      %dma_wait3A_20 = tpu.memref_slice %arg2[%dma_wait3A, %dma_wait3A_19] : memref<8192x128xf32, #tpu.memory_space<hbm>> -> memref<8192x128xf32, #tpu.memory_space<hbm>>
      tpu.wait_indirect_dma semaphore(%arg11 : memref<!tpu.dma_semaphore, #tpu.memory_space<semaphore_mem>>) src(%dma_wait3A_20 : memref<8192x128xf32, #tpu.memory_space<hbm>>) dst(%arg9 : memref<384x128xf32, #tpu.memory_space<vmem>>)
      %dma_wait3A_21 = arith.constant 0 : i32
      %dma_wait3A_22 = arith.constant 0 : i32
      %dma_wait3A_23 = tpu.memref_slice %arg2[%dma_wait3A_21, %dma_wait3A_22] : memref<8192x128xf32, #tpu.memory_space<hbm>> -> memref<8192x128xf32, #tpu.memory_space<hbm>>
      tpu.wait_indirect_dma semaphore(%arg11 : memref<!tpu.dma_semaphore, #tpu.memory_space<semaphore_mem>>) src(%dma_wait3A_23 : memref<8192x128xf32, #tpu.memory_space<hbm>>) dst(%arg10 : memref<384x128xf32, #tpu.memory_space<vmem>>)
      "tpu.region"() ({
        %run_scoped3A = tpu.sem_alloc : memref<!tpu.dma_semaphore, #tpu.memory_space<semaphore_mem>>
        %dma_start3A_25 = arith.constant 0 : i32
        %dma_start3A_26 = tpu.memref_slice %arg5[%add3A_13, %dma_start3A_25] : memref<98304x128xf32, #tpu.memory_space<hbm>> -> memref<384x128xf32, #tpu.memory_space<hbm>>
        %dma_start3A_27 = arith.constant 0 : i32
        %dma_start3A_28 = tpu.memref_slice %arg5[%add3A_13, %dma_start3A_27] : memref<98304x128xf32, #tpu.memory_space<hbm>> -> memref<384x128xf32, #tpu.memory_space<hbm>>
        tpu.enqueue_dma source(%arg9 : memref<384x128xf32, #tpu.memory_space<vmem>>) target(%dma_start3A_28 : memref<384x128xf32, #tpu.memory_space<hbm>>) target_semaphore(%run_scoped3A : memref<!tpu.dma_semaphore, #tpu.memory_space<semaphore_mem>>)
        %dma_wait3A_29 = arith.constant 0 : i32
        %dma_wait3A_30 = tpu.memref_slice %arg5[%add3A_13, %dma_wait3A_29] : memref<98304x128xf32, #tpu.memory_space<hbm>> -> memref<384x128xf32, #tpu.memory_space<hbm>>
        %dma_wait3A_31 = arith.constant 0 : i32
        %dma_wait3A_32 = tpu.memref_slice %arg5[%add3A_13, %dma_wait3A_31] : memref<98304x128xf32, #tpu.memory_space<hbm>> -> memref<384x128xf32, #tpu.memory_space<hbm>>
        tpu.wait_dma2 semaphore(%run_scoped3A : memref<!tpu.dma_semaphore, #tpu.memory_space<semaphore_mem>>) src(%arg9 : memref<384x128xf32, #tpu.memory_space<vmem>>) dst(%dma_wait3A_32 : memref<384x128xf32, #tpu.memory_space<hbm>>)
        tpu.yield
      }) : () -> ()
      "tpu.region"() ({
        %run_scoped3A = tpu.sem_alloc : memref<!tpu.dma_semaphore, #tpu.memory_space<semaphore_mem>>
        %dma_start3A_25 = arith.constant 0 : i32
        %dma_start3A_26 = tpu.memref_slice %arg6[%add3A_13, %dma_start3A_25] : memref<98304x128xf32, #tpu.memory_space<hbm>> -> memref<384x128xf32, #tpu.memory_space<hbm>>
        %dma_start3A_27 = arith.constant 0 : i32
        %dma_start3A_28 = tpu.memref_slice %arg6[%add3A_13, %dma_start3A_27] : memref<98304x128xf32, #tpu.memory_space<hbm>> -> memref<384x128xf32, #tpu.memory_space<hbm>>
        tpu.enqueue_dma source(%arg10 : memref<384x128xf32, #tpu.memory_space<vmem>>) target(%dma_start3A_28 : memref<384x128xf32, #tpu.memory_space<hbm>>) target_semaphore(%run_scoped3A : memref<!tpu.dma_semaphore, #tpu.memory_space<semaphore_mem>>)
        %dma_wait3A_29 = arith.constant 0 : i32
        %dma_wait3A_30 = tpu.memref_slice %arg6[%add3A_13, %dma_wait3A_29] : memref<98304x128xf32, #tpu.memory_space<hbm>> -> memref<384x128xf32, #tpu.memory_space<hbm>>
        %dma_wait3A_31 = arith.constant 0 : i32
        %dma_wait3A_32 = tpu.memref_slice %arg6[%add3A_13, %dma_wait3A_31] : memref<98304x128xf32, #tpu.memory_space<hbm>> -> memref<384x128xf32, #tpu.memory_space<hbm>>
        tpu.wait_dma2 semaphore(%run_scoped3A : memref<!tpu.dma_semaphore, #tpu.memory_space<semaphore_mem>>) src(%arg10 : memref<384x128xf32, #tpu.memory_space<vmem>>) dst(%dma_wait3A_32 : memref<384x128xf32, #tpu.memory_space<hbm>>)
        tpu.yield
      }) : () -> ()
      %scan3A_24 = arith.constant 0 : i32
      scf.yield %scan3A_24 : i32
    }
    %scan3A_6 = arith.constant 8 : i32
    return
  }
}

module attributes {stable_mosaic.version = 14 : i64} {
  func.func @_knn_body(%arg0: i32, %arg1: memref<256x64xf32, #tpu.memory_space<vmem>>, %arg2: memref<8192x64xf32, #tpu.memory_space<vmem>>, %arg3: memref<256x1xi32, #tpu.memory_space<vmem>>, %arg4: memref<1x8192xi32, #tpu.memory_space<vmem>>, %arg5: memref<1x1x128xf32, #tpu.memory_space<vmem>>, %arg6: memref<256x8192xf32, #tpu.memory_space<vmem>>, %arg7: memref<256x2048xf32, #tpu.memory_space<vmem>>) attributes {dimension_semantics = [#tpu.dimension_semantics<arbitrary>], iteration_bounds = array<i64: 32>, scalar_prefetch = 0 : i64, scratch_operands = 2 : i64, tpu.core_type = #tpu.core_type<tc>, window_params = [{transform_indices = @transform_0, window_bounds = array<i64: 256, 64>}, {pipeline_mode = #tpu.pipeline_mode<synchronous>, transform_indices = @transform_1, window_bounds = array<i64: 8192, 64>}, {transform_indices = @transform_2, window_bounds = array<i64: 256, 1>}, {pipeline_mode = #tpu.pipeline_mode<synchronous>, transform_indices = @transform_3, window_bounds = array<i64: 1, 8192>}, {transform_indices = @transform_4, window_bounds = array<i64: 1, 1, 128>}]} {
    %get3A = arith.constant 0 : index
    %get3A_0 = arith.constant 0 : index
    %get3A_1 = vector.load %arg1[%get3A, %get3A_0] : memref<256x64xf32, #tpu.memory_space<vmem>>, vector<256x64xf32>
    %get3A_2 = arith.constant 0 : index
    %get3A_3 = arith.constant 0 : index
    %get3A_4 = vector.load %arg2[%get3A_2, %get3A_3] : memref<8192x64xf32, #tpu.memory_space<vmem>>, vector<8192x64xf32>
    %dot_general3A = arith.constant dense<0.000000e+00> : vector<256x8192xf32>
    %dot_general3A_5 = tpu.matmul %get3A_1, %get3A_4, %dot_general3A {dimension_numbers = #tpu.dot_dimension_numbers<[1], [1], [0], [0], [0, 0, 1, 0], [], []>, precision = #tpu.contract_precision<fp32>, transpose_lhs_hint = false} : vector<256x64xf32>, vector<8192x64xf32>, vector<256x8192xf32> -> vector<256x8192xf32>
    %mul3A = arith.mulf %get3A_1, %get3A_1 : vector<256x64xf32>
    %reduce_sum3A = arith.constant dense<0.000000e+00> : vector<256xf32>
    %reduce_sum3A_6 = vector.multi_reduction <add>, %mul3A, %reduce_sum3A [1] : vector<256x64xf32> to vector<256xf32>
    %broadcast_in_dim3A = vector.shape_cast %reduce_sum3A_6 : vector<256xf32> to vector<256x1xf32>
    %broadcast_in_dim3A_7 = arith.constant 1.000000e+00 : f32
    %broadcast_in_dim3A_8 = vector.broadcast %broadcast_in_dim3A_7 : f32 to vector<8x64xf32>
    %mul3A_9 = arith.mulf %get3A_4, %get3A_4 : vector<8192x64xf32>
    %dot_general3A_10 = arith.constant dense<0.000000e+00> : vector<8x8192xf32>
    %dot_general3A_11 = tpu.matmul %broadcast_in_dim3A_8, %mul3A_9, %dot_general3A_10 {dimension_numbers = #tpu.dot_dimension_numbers<[1], [1], [0], [0], [0, 0, 1, 0], [], []>, precision = #tpu.contract_precision<fp32>, transpose_lhs_hint = false} : vector<8x64xf32>, vector<8192x64xf32>, vector<8x8192xf32> -> vector<8x8192xf32>
    %slice3A = vector.extract_strided_slice %dot_general3A_11 {offsets = [0, 0], sizes = [1, 8192], strides = [1, 1]} : vector<8x8192xf32> to vector<1x8192xf32>
    %iota3A = tpu.iota {dimensions = array<i32: 1>} : vector<256x8192xi32>
    %mul3A_12 = arith.constant 256 : i32
    %mul3A_13 = arith.muli %arg0, %mul3A_12 : i32
    %iota3A_14 = tpu.iota {dimensions = array<i32: 0>} : vector<256x1xi32>
    %add3A = vector.broadcast %mul3A_13 : i32 to vector<256x1xi32>
    %add3A_15 = arith.addi %add3A, %iota3A_14 : vector<256x1xi32>
    %get3A_16 = arith.constant 0 : index
    %get3A_17 = arith.constant 0 : index
    %get3A_18 = vector.load %arg3[%get3A_16, %get3A_17] : memref<256x1xi32, #tpu.memory_space<vmem>>, vector<256x1xi32>
    %get3A_19 = arith.constant 0 : index
    %get3A_20 = arith.constant 0 : index
    %get3A_21 = vector.load %arg4[%get3A_19, %get3A_20] : memref<1x8192xi32, #tpu.memory_space<vmem>>, vector<1x8192xi32>
    %eq3A = vector.broadcast %get3A_18 : vector<256x1xi32> to vector<256x8192xi32>
    %eq3A_22 = vector.broadcast %get3A_21 : vector<1x8192xi32> to vector<256x8192xi32>
    %eq3A_23 = arith.cmpi eq, %eq3A, %eq3A_22 : vector<256x8192xi32>
    %ne3A = arith.constant 0 : i32
    %ne3A_24 = vector.broadcast %ne3A : i32 to vector<256x1xi32>
    %ne3A_25 = arith.cmpi ne, %get3A_18, %ne3A_24 : vector<256x1xi32>
    %and3A = vector.broadcast %ne3A_25 : vector<256x1xi1> to vector<256x8192xi1>
    %and3A_26 = arith.andi %eq3A_23, %and3A : vector<256x8192xi1>
    %jit3A = arith.constant 1 : i32
    %jit3A_27 = arith.constant 0 : i32
    %broadcast_in_dim3A_28 = vector.broadcast %jit3A : i32 to vector<256x8192xi32>
    %broadcast_in_dim3A_29 = vector.broadcast %jit3A_27 : i32 to vector<256x8192xi32>
    %select_n3A = arith.select %and3A_26, %broadcast_in_dim3A_28, %broadcast_in_dim3A_29 : vector<256x8192xi1>, vector<256x8192xi32>
    %add3A_30 = vector.broadcast %broadcast_in_dim3A : vector<256x1xf32> to vector<256x8192xf32>
    %add3A_31 = vector.broadcast %slice3A : vector<1x8192xf32> to vector<256x8192xf32>
    %add3A_32 = arith.addf %add3A_30, %add3A_31 : vector<256x8192xf32>
    %mul3A_33 = arith.constant 2.000000e+00 : f32
    %mul3A_34 = vector.broadcast %mul3A_33 : f32 to vector<256x8192xf32>
    %mul3A_35 = arith.mulf %mul3A_34, %dot_general3A_5 : vector<256x8192xf32>
    %sub3A = arith.subf %add3A_32, %mul3A_35 : vector<256x8192xf32>
    %max3A = arith.constant 0.000000e+00 : f32
    %max3A_36 = vector.broadcast %max3A : f32 to vector<256x8192xf32>
    %max3A_37 = arith.maximumf %sub3A, %max3A_36 : vector<256x8192xf32>
    %bitcast_convert_type3A = tpu.bitcast %max3A_37 : vector<256x8192xf32> -> vector<256x8192xi32>
    %and3A_38 = arith.constant -2 : i32
    %and3A_39 = vector.broadcast %and3A_38 : i32 to vector<256x8192xi32>
    %and3A_40 = arith.andi %bitcast_convert_type3A, %and3A_39 : vector<256x8192xi32>
    %or3A = arith.ori %and3A_40, %select_n3A : vector<256x8192xi32>
    %bitcast_convert_type3A_41 = tpu.bitcast %or3A : vector<256x8192xi32> -> vector<256x8192xf32>
    %eq3A_42 = vector.broadcast %add3A_15 : vector<256x1xi32> to vector<256x8192xi32>
    %eq3A_43 = arith.cmpi eq, %iota3A, %eq3A_42 : vector<256x8192xi32>
    %jit3A_44 = arith.constant 3.000000e+38 : f32
    %broadcast_in_dim3A_45 = vector.broadcast %jit3A_44 : f32 to vector<256x8192xf32>
    %select_n3A_46 = arith.select %eq3A_43, %broadcast_in_dim3A_45, %bitcast_convert_type3A_41 : vector<256x8192xi1>, vector<256x8192xf32>
    %swap3A = arith.constant 0 : index
    %swap3A_47 = arith.constant 0 : index
    %swap3A_48 = vector.load %arg6[%swap3A, %swap3A_47] : memref<256x8192xf32, #tpu.memory_space<vmem>>, vector<256x8192xf32>
    tpu.vector_store %arg6[%swap3A, %swap3A_47], %select_n3A_46 {strides = array<i32>} : memref<256x8192xf32, #tpu.memory_space<vmem>>, vector<256x8192xf32>,
    %scan3A = arith.constant 0 : i32
    %scan3A_49 = arith.constant 32 : i32
    %scan3A_50 = arith.addi %scan3A, %scan3A_49 : i32
    %scan3A_51 = arith.constant 1 : i32
    scf.for %scan3A_120 = %scan3A to %scan3A_50 step %scan3A_51  : i32 {
      %mul3A_121 = arith.constant 8 : i32
      %mul3A_122 = arith.muli %scan3A_120, %mul3A_121 : i32
      %get3A_123 = arith.index_cast %mul3A_122 : i32 to index
      %get3A_124 = arith.constant 0 : index
      %get3A_125 = vector.load %arg6[%get3A_123, %get3A_124] : memref<256x8192xf32, #tpu.memory_space<vmem>>, vector<8x128xf32>
      %mul3A_126 = arith.constant 8 : i32
      %mul3A_127 = arith.muli %scan3A_120, %mul3A_126 : i32
      %get3A_128 = arith.index_cast %mul3A_127 : i32 to index
      %get3A_129 = arith.constant 128 : index
      %get3A_130 = vector.load %arg6[%get3A_128, %get3A_129] : memref<256x8192xf32, #tpu.memory_space<vmem>>, vector<8x128xf32>
      %mul3A_131 = arith.constant 8 : i32
      %mul3A_132 = arith.muli %scan3A_120, %mul3A_131 : i32
      %get3A_133 = arith.index_cast %mul3A_132 : i32 to index
      %get3A_134 = arith.constant 256 : index
      %get3A_135 = vector.load %arg6[%get3A_133, %get3A_134] : memref<256x8192xf32, #tpu.memory_space<vmem>>, vector<8x128xf32>
      %mul3A_136 = arith.constant 8 : i32
      %mul3A_137 = arith.muli %scan3A_120, %mul3A_136 : i32
      %get3A_138 = arith.index_cast %mul3A_137 : i32 to index
      %get3A_139 = arith.constant 384 : index
      %get3A_140 = vector.load %arg6[%get3A_138, %get3A_139] : memref<256x8192xf32, #tpu.memory_space<vmem>>, vector<8x128xf32>
      %mul3A_141 = arith.constant 8 : i32
      %mul3A_142 = arith.muli %scan3A_120, %mul3A_141 : i32
      %get3A_143 = arith.index_cast %mul3A_142 : i32 to index
      %get3A_144 = arith.constant 512 : index
      %get3A_145 = vector.load %arg6[%get3A_143, %get3A_144] : memref<256x8192xf32, #tpu.memory_space<vmem>>, vector<8x128xf32>
      %mul3A_146 = arith.constant 8 : i32
      %mul3A_147 = arith.muli %scan3A_120, %mul3A_146 : i32
      %get3A_148 = arith.index_cast %mul3A_147 : i32 to index
      %get3A_149 = arith.constant 640 : index
      %get3A_150 = vector.load %arg6[%get3A_148, %get3A_149] : memref<256x8192xf32, #tpu.memory_space<vmem>>, vector<8x128xf32>
      %mul3A_151 = arith.constant 8 : i32
      %mul3A_152 = arith.muli %scan3A_120, %mul3A_151 : i32
      %get3A_153 = arith.index_cast %mul3A_152 : i32 to index
      %get3A_154 = arith.constant 768 : index
      %get3A_155 = vector.load %arg6[%get3A_153, %get3A_154] : memref<256x8192xf32, #tpu.memory_space<vmem>>, vector<8x128xf32>
      %mul3A_156 = arith.constant 8 : i32
      %mul3A_157 = arith.muli %scan3A_120, %mul3A_156 : i32
      %get3A_158 = arith.index_cast %mul3A_157 : i32 to index
      %get3A_159 = arith.constant 896 : index
      %get3A_160 = vector.load %arg6[%get3A_158, %get3A_159] : memref<256x8192xf32, #tpu.memory_space<vmem>>, vector<8x128xf32>
      %mul3A_161 = arith.constant 8 : i32
      %mul3A_162 = arith.muli %scan3A_120, %mul3A_161 : i32
      %get3A_163 = arith.index_cast %mul3A_162 : i32 to index
      %get3A_164 = arith.constant 1024 : index
      %get3A_165 = vector.load %arg6[%get3A_163, %get3A_164] : memref<256x8192xf32, #tpu.memory_space<vmem>>, vector<8x128xf32>
      %mul3A_166 = arith.constant 8 : i32
      %mul3A_167 = arith.muli %scan3A_120, %mul3A_166 : i32
      %get3A_168 = arith.index_cast %mul3A_167 : i32 to index
      %get3A_169 = arith.constant 1152 : index
      %get3A_170 = vector.load %arg6[%get3A_168, %get3A_169] : memref<256x8192xf32, #tpu.memory_space<vmem>>, vector<8x128xf32>
      %mul3A_171 = arith.constant 8 : i32
      %mul3A_172 = arith.muli %scan3A_120, %mul3A_171 : i32
      %get3A_173 = arith.index_cast %mul3A_172 : i32 to index
      %get3A_174 = arith.constant 1280 : index
      %get3A_175 = vector.load %arg6[%get3A_173, %get3A_174] : memref<256x8192xf32, #tpu.memory_space<vmem>>, vector<8x128xf32>
      %mul3A_176 = arith.constant 8 : i32
      %mul3A_177 = arith.muli %scan3A_120, %mul3A_176 : i32
      %get3A_178 = arith.index_cast %mul3A_177 : i32 to index
      %get3A_179 = arith.constant 1408 : index
      %get3A_180 = vector.load %arg6[%get3A_178, %get3A_179] : memref<256x8192xf32, #tpu.memory_space<vmem>>, vector<8x128xf32>
      %mul3A_181 = arith.constant 8 : i32
      %mul3A_182 = arith.muli %scan3A_120, %mul3A_181 : i32
      %get3A_183 = arith.index_cast %mul3A_182 : i32 to index
      %get3A_184 = arith.constant 1536 : index
      %get3A_185 = vector.load %arg6[%get3A_183, %get3A_184] : memref<256x8192xf32, #tpu.memory_space<vmem>>, vector<8x128xf32>
      %mul3A_186 = arith.constant 8 : i32
      %mul3A_187 = arith.muli %scan3A_120, %mul3A_186 : i32
      %get3A_188 = arith.index_cast %mul3A_187 : i32 to index
      %get3A_189 = arith.constant 1664 : index
      %get3A_190 = vector.load %arg6[%get3A_188, %get3A_189] : memref<256x8192xf32, #tpu.memory_space<vmem>>, vector<8x128xf32>
      %mul3A_191 = arith.constant 8 : i32
      %mul3A_192 = arith.muli %scan3A_120, %mul3A_191 : i32
      %get3A_193 = arith.index_cast %mul3A_192 : i32 to index
      %get3A_194 = arith.constant 1792 : index
      %get3A_195 = vector.load %arg6[%get3A_193, %get3A_194] : memref<256x8192xf32, #tpu.memory_space<vmem>>, vector<8x128xf32>
      %mul3A_196 = arith.constant 8 : i32
      %mul3A_197 = arith.muli %scan3A_120, %mul3A_196 : i32
      %get3A_198 = arith.index_cast %mul3A_197 : i32 to index
      %get3A_199 = arith.constant 1920 : index
      %get3A_200 = vector.load %arg6[%get3A_198, %get3A_199] : memref<256x8192xf32, #tpu.memory_space<vmem>>, vector<8x128xf32>
      %min3A = arith.minimumf %get3A_125, %get3A_130 : vector<8x128xf32>
      %max3A_201 = arith.maximumf %get3A_125, %get3A_130 : vector<8x128xf32>
      %min3A_202 = arith.minimumf %get3A_135, %get3A_140 : vector<8x128xf32>
      %max3A_203 = arith.maximumf %get3A_135, %get3A_140 : vector<8x128xf32>
      %min3A_204 = arith.minimumf %get3A_145, %get3A_150 : vector<8x128xf32>
      %max3A_205 = arith.maximumf %get3A_145, %get3A_150 : vector<8x128xf32>
      %min3A_206 = arith.minimumf %get3A_155, %get3A_160 : vector<8x128xf32>
      %max3A_207 = arith.maximumf %get3A_155, %get3A_160 : vector<8x128xf32>
      %min3A_208 = arith.minimumf %get3A_165, %get3A_170 : vector<8x128xf32>
      %max3A_209 = arith.maximumf %get3A_165, %get3A_170 : vector<8x128xf32>
      %min3A_210 = arith.minimumf %get3A_175, %get3A_180 : vector<8x128xf32>
      %max3A_211 = arith.maximumf %get3A_175, %get3A_180 : vector<8x128xf32>
      %min3A_212 = arith.minimumf %get3A_185, %get3A_190 : vector<8x128xf32>
      %max3A_213 = arith.maximumf %get3A_185, %get3A_190 : vector<8x128xf32>
      %min3A_214 = arith.minimumf %get3A_195, %get3A_200 : vector<8x128xf32>
      %max3A_215 = arith.maximumf %get3A_195, %get3A_200 : vector<8x128xf32>
      %min3A_216 = arith.minimumf %min3A, %max3A_203 : vector<8x128xf32>
      %max3A_217 = arith.maximumf %min3A, %max3A_203 : vector<8x128xf32>
      %min3A_218 = arith.minimumf %max3A_201, %min3A_202 : vector<8x128xf32>
      %max3A_219 = arith.maximumf %max3A_201, %min3A_202 : vector<8x128xf32>
      %min3A_220 = arith.minimumf %min3A_204, %max3A_207 : vector<8x128xf32>
      %max3A_221 = arith.maximumf %min3A_204, %max3A_207 : vector<8x128xf32>
      %min3A_222 = arith.minimumf %max3A_205, %min3A_206 : vector<8x128xf32>
      %max3A_223 = arith.maximumf %max3A_205, %min3A_206 : vector<8x128xf32>
      %min3A_224 = arith.minimumf %min3A_208, %max3A_211 : vector<8x128xf32>
      %max3A_225 = arith.maximumf %min3A_208, %max3A_211 : vector<8x128xf32>
      %min3A_226 = arith.minimumf %max3A_209, %min3A_210 : vector<8x128xf32>
      %max3A_227 = arith.maximumf %max3A_209, %min3A_210 : vector<8x128xf32>
      %min3A_228 = arith.minimumf %min3A_212, %max3A_215 : vector<8x128xf32>
      %max3A_229 = arith.maximumf %min3A_212, %max3A_215 : vector<8x128xf32>
      %min3A_230 = arith.minimumf %max3A_213, %min3A_214 : vector<8x128xf32>
      %max3A_231 = arith.maximumf %max3A_213, %min3A_214 : vector<8x128xf32>
      %min3A_232 = arith.minimumf %min3A_216, %min3A_218 : vector<8x128xf32>
      %max3A_233 = arith.maximumf %min3A_216, %min3A_218 : vector<8x128xf32>
      %min3A_234 = arith.minimumf %max3A_217, %max3A_219 : vector<8x128xf32>
      %max3A_235 = arith.maximumf %max3A_217, %max3A_219 : vector<8x128xf32>
      %min3A_236 = arith.minimumf %max3A_221, %max3A_223 : vector<8x128xf32>
      %max3A_237 = arith.maximumf %max3A_221, %max3A_223 : vector<8x128xf32>
      %min3A_238 = arith.minimumf %min3A_220, %min3A_222 : vector<8x128xf32>
      %max3A_239 = arith.maximumf %min3A_220, %min3A_222 : vector<8x128xf32>
      %min3A_240 = arith.minimumf %min3A_224, %min3A_226 : vector<8x128xf32>
      %max3A_241 = arith.maximumf %min3A_224, %min3A_226 : vector<8x128xf32>
      %min3A_242 = arith.minimumf %max3A_225, %max3A_227 : vector<8x128xf32>
      %max3A_243 = arith.maximumf %max3A_225, %max3A_227 : vector<8x128xf32>
      %min3A_244 = arith.minimumf %max3A_229, %max3A_231 : vector<8x128xf32>
      %max3A_245 = arith.maximumf %max3A_229, %max3A_231 : vector<8x128xf32>
      %min3A_246 = arith.minimumf %min3A_228, %min3A_230 : vector<8x128xf32>
      %max3A_247 = arith.maximumf %min3A_228, %min3A_230 : vector<8x128xf32>
      %min3A_248 = arith.minimumf %min3A_232, %max3A_237 : vector<8x128xf32>
      %max3A_249 = arith.maximumf %min3A_232, %max3A_237 : vector<8x128xf32>
      %min3A_250 = arith.minimumf %max3A_233, %min3A_236 : vector<8x128xf32>
      %max3A_251 = arith.maximumf %max3A_233, %min3A_236 : vector<8x128xf32>
      %min3A_252 = arith.minimumf %min3A_234, %max3A_239 : vector<8x128xf32>
      %max3A_253 = arith.maximumf %min3A_234, %max3A_239 : vector<8x128xf32>
      %min3A_254 = arith.minimumf %max3A_235, %min3A_238 : vector<8x128xf32>
      %max3A_255 = arith.maximumf %max3A_235, %min3A_238 : vector<8x128xf32>
      %min3A_256 = arith.minimumf %min3A_240, %max3A_245 : vector<8x128xf32>
      %max3A_257 = arith.maximumf %min3A_240, %max3A_245 : vector<8x128xf32>
      %min3A_258 = arith.minimumf %max3A_241, %min3A_244 : vector<8x128xf32>
      %max3A_259 = arith.maximumf %max3A_241, %min3A_244 : vector<8x128xf32>
      %min3A_260 = arith.minimumf %min3A_242, %max3A_247 : vector<8x128xf32>
      %max3A_261 = arith.maximumf %min3A_242, %max3A_247 : vector<8x128xf32>
      %min3A_262 = arith.minimumf %max3A_243, %min3A_246 : vector<8x128xf32>
      %max3A_263 = arith.maximumf %max3A_243, %min3A_246 : vector<8x128xf32>
      %min3A_264 = arith.minimumf %min3A_248, %min3A_252 : vector<8x128xf32>
      %max3A_265 = arith.maximumf %min3A_248, %min3A_252 : vector<8x128xf32>
      %min3A_266 = arith.minimumf %min3A_250, %min3A_254 : vector<8x128xf32>
      %max3A_267 = arith.maximumf %min3A_250, %min3A_254 : vector<8x128xf32>
      %min3A_268 = arith.minimumf %max3A_249, %max3A_253 : vector<8x128xf32>
      %max3A_269 = arith.maximumf %max3A_249, %max3A_253 : vector<8x128xf32>
      %min3A_270 = arith.minimumf %max3A_251, %max3A_255 : vector<8x128xf32>
      %max3A_271 = arith.maximumf %max3A_251, %max3A_255 : vector<8x128xf32>
      %min3A_272 = arith.minimumf %max3A_257, %max3A_261 : vector<8x128xf32>
      %max3A_273 = arith.maximumf %max3A_257, %max3A_261 : vector<8x128xf32>
      %min3A_274 = arith.minimumf %max3A_259, %max3A_263 : vector<8x128xf32>
      %max3A_275 = arith.maximumf %max3A_259, %max3A_263 : vector<8x128xf32>
      %min3A_276 = arith.minimumf %min3A_256, %min3A_260 : vector<8x128xf32>
      %max3A_277 = arith.maximumf %min3A_256, %min3A_260 : vector<8x128xf32>
      %min3A_278 = arith.minimumf %min3A_258, %min3A_262 : vector<8x128xf32>
      %max3A_279 = arith.maximumf %min3A_258, %min3A_262 : vector<8x128xf32>
      %min3A_280 = arith.minimumf %min3A_264, %min3A_266 : vector<8x128xf32>
      %max3A_281 = arith.maximumf %min3A_264, %min3A_266 : vector<8x128xf32>
      %min3A_282 = arith.minimumf %max3A_265, %max3A_267 : vector<8x128xf32>
      %max3A_283 = arith.maximumf %max3A_265, %max3A_267 : vector<8x128xf32>
      %min3A_284 = arith.minimumf %min3A_268, %min3A_270 : vector<8x128xf32>
      %max3A_285 = arith.maximumf %min3A_268, %min3A_270 : vector<8x128xf32>
      %min3A_286 = arith.minimumf %max3A_269, %max3A_271 : vector<8x128xf32>
      %max3A_287 = arith.maximumf %max3A_269, %max3A_271 : vector<8x128xf32>
      %min3A_288 = arith.minimumf %max3A_273, %max3A_275 : vector<8x128xf32>
      %max3A_289 = arith.maximumf %max3A_273, %max3A_275 : vector<8x128xf32>
      %min3A_290 = arith.minimumf %min3A_272, %min3A_274 : vector<8x128xf32>
      %max3A_291 = arith.maximumf %min3A_272, %min3A_274 : vector<8x128xf32>
      %min3A_292 = arith.minimumf %max3A_277, %max3A_279 : vector<8x128xf32>
      %max3A_293 = arith.maximumf %max3A_277, %max3A_279 : vector<8x128xf32>
      %min3A_294 = arith.minimumf %min3A_276, %min3A_278 : vector<8x128xf32>
      %max3A_295 = arith.maximumf %min3A_276, %min3A_278 : vector<8x128xf32>
      %min3A_296 = arith.minimumf %min3A_280, %max3A_289 : vector<8x128xf32>
      %max3A_297 = arith.maximumf %min3A_280, %max3A_289 : vector<8x128xf32>
      %min3A_298 = arith.minimumf %max3A_281, %min3A_288 : vector<8x128xf32>
      %max3A_299 = arith.maximumf %max3A_281, %min3A_288 : vector<8x128xf32>
      %min3A_300 = arith.minimumf %min3A_282, %max3A_291 : vector<8x128xf32>
      %max3A_301 = arith.maximumf %min3A_282, %max3A_291 : vector<8x128xf32>
      %min3A_302 = arith.minimumf %max3A_283, %min3A_290 : vector<8x128xf32>
      %max3A_303 = arith.maximumf %max3A_283, %min3A_290 : vector<8x128xf32>
      %min3A_304 = arith.minimumf %min3A_284, %max3A_293 : vector<8x128xf32>
      %max3A_305 = arith.maximumf %min3A_284, %max3A_293 : vector<8x128xf32>
      %min3A_306 = arith.minimumf %max3A_285, %min3A_292 : vector<8x128xf32>
      %max3A_307 = arith.maximumf %max3A_285, %min3A_292 : vector<8x128xf32>
      %min3A_308 = arith.minimumf %min3A_286, %max3A_295 : vector<8x128xf32>
      %max3A_309 = arith.maximumf %min3A_286, %max3A_295 : vector<8x128xf32>
      %min3A_310 = arith.minimumf %max3A_287, %min3A_294 : vector<8x128xf32>
      %max3A_311 = arith.maximumf %max3A_287, %min3A_294 : vector<8x128xf32>
      %min3A_312 = arith.minimumf %min3A_296, %min3A_304 : vector<8x128xf32>
      %max3A_313 = arith.maximumf %min3A_296, %min3A_304 : vector<8x128xf32>
      %min3A_314 = arith.minimumf %min3A_298, %min3A_306 : vector<8x128xf32>
      %max3A_315 = arith.maximumf %min3A_298, %min3A_306 : vector<8x128xf32>
      %min3A_316 = arith.minimumf %min3A_300, %min3A_308 : vector<8x128xf32>
      %max3A_317 = arith.maximumf %min3A_300, %min3A_308 : vector<8x128xf32>
      %min3A_318 = arith.minimumf %min3A_302, %min3A_310 : vector<8x128xf32>
      %max3A_319 = arith.maximumf %min3A_302, %min3A_310 : vector<8x128xf32>
      %min3A_320 = arith.minimumf %max3A_297, %max3A_305 : vector<8x128xf32>
      %max3A_321 = arith.maximumf %max3A_297, %max3A_305 : vector<8x128xf32>
      %min3A_322 = arith.minimumf %max3A_299, %max3A_307 : vector<8x128xf32>
      %max3A_323 = arith.maximumf %max3A_299, %max3A_307 : vector<8x128xf32>
      %min3A_324 = arith.minimumf %max3A_301, %max3A_309 : vector<8x128xf32>
      %max3A_325 = arith.maximumf %max3A_301, %max3A_309 : vector<8x128xf32>
      %min3A_326 = arith.minimumf %max3A_303, %max3A_311 : vector<8x128xf32>
      %max3A_327 = arith.maximumf %max3A_303, %max3A_311 : vector<8x128xf32>
      %min3A_328 = arith.minimumf %min3A_312, %min3A_316 : vector<8x128xf32>
      %max3A_329 = arith.maximumf %min3A_312, %min3A_316 : vector<8x128xf32>
      %min3A_330 = arith.minimumf %min3A_314, %min3A_318 : vector<8x128xf32>
      %max3A_331 = arith.maximumf %min3A_314, %min3A_318 : vector<8x128xf32>
      %min3A_332 = arith.minimumf %max3A_313, %max3A_317 : vector<8x128xf32>
      %max3A_333 = arith.maximumf %max3A_313, %max3A_317 : vector<8x128xf32>
      %min3A_334 = arith.minimumf %max3A_315, %max3A_319 : vector<8x128xf32>
      %max3A_335 = arith.maximumf %max3A_315, %max3A_319 : vector<8x128xf32>
      %min3A_336 = arith.minimumf %min3A_320, %min3A_324 : vector<8x128xf32>
      %max3A_337 = arith.maximumf %min3A_320, %min3A_324 : vector<8x128xf32>
      %min3A_338 = arith.minimumf %min3A_322, %min3A_326 : vector<8x128xf32>
      %max3A_339 = arith.maximumf %min3A_322, %min3A_326 : vector<8x128xf32>
      %min3A_340 = arith.minimumf %max3A_321, %max3A_325 : vector<8x128xf32>
      %max3A_341 = arith.maximumf %max3A_321, %max3A_325 : vector<8x128xf32>
      %min3A_342 = arith.minimumf %max3A_323, %max3A_327 : vector<8x128xf32>
      %max3A_343 = arith.maximumf %max3A_323, %max3A_327 : vector<8x128xf32>
      %min3A_344 = arith.minimumf %min3A_328, %min3A_330 : vector<8x128xf32>
      %max3A_345 = arith.maximumf %min3A_328, %min3A_330 : vector<8x128xf32>
      %min3A_346 = arith.minimumf %max3A_329, %max3A_331 : vector<8x128xf32>
      %max3A_347 = arith.maximumf %max3A_329, %max3A_331 : vector<8x128xf32>
      %min3A_348 = arith.minimumf %min3A_332, %min3A_334 : vector<8x128xf32>
      %max3A_349 = arith.maximumf %min3A_332, %min3A_334 : vector<8x128xf32>
      %min3A_350 = arith.minimumf %max3A_333, %max3A_335 : vector<8x128xf32>
      %max3A_351 = arith.maximumf %max3A_333, %max3A_335 : vector<8x128xf32>
      %min3A_352 = arith.minimumf %min3A_336, %min3A_338 : vector<8x128xf32>
      %max3A_353 = arith.maximumf %min3A_336, %min3A_338 : vector<8x128xf32>
      %min3A_354 = arith.minimumf %max3A_337, %max3A_339 : vector<8x128xf32>
      %max3A_355 = arith.maximumf %max3A_337, %max3A_339 : vector<8x128xf32>
      %min3A_356 = arith.minimumf %min3A_340, %min3A_342 : vector<8x128xf32>
      %max3A_357 = arith.maximumf %min3A_340, %min3A_342 : vector<8x128xf32>
      %min3A_358 = arith.minimumf %max3A_341, %max3A_343 : vector<8x128xf32>
      %max3A_359 = arith.maximumf %max3A_341, %max3A_343 : vector<8x128xf32>
      %mul3A_360 = arith.constant 8 : i32
      %mul3A_361 = arith.muli %scan3A_120, %mul3A_360 : i32
      %get3A_362 = arith.index_cast %mul3A_361 : i32 to index
      %get3A_363 = arith.constant 2048 : index
      %get3A_364 = vector.load %arg6[%get3A_362, %get3A_363] : memref<256x8192xf32, #tpu.memory_space<vmem>>, vector<8x128xf32>
      %mul3A_365 = arith.constant 8 : i32
      %mul3A_366 = arith.muli %scan3A_120, %mul3A_365 : i32
      %get3A_367 = arith.index_cast %mul3A_366 : i32 to index
      %get3A_368 = arith.constant 2176 : index
      %get3A_369 = vector.load %arg6[%get3A_367, %get3A_368] : memref<256x8192xf32, #tpu.memory_space<vmem>>, vector<8x128xf32>
      %mul3A_370 = arith.constant 8 : i32
      %mul3A_371 = arith.muli %scan3A_120, %mul3A_370 : i32
      %get3A_372 = arith.index_cast %mul3A_371 : i32 to index
      %get3A_373 = arith.constant 2304 : index
      %get3A_374 = vector.load %arg6[%get3A_372, %get3A_373] : memref<256x8192xf32, #tpu.memory_space<vmem>>, vector<8x128xf32>
      %mul3A_375 = arith.constant 8 : i32
      %mul3A_376 = arith.muli %scan3A_120, %mul3A_375 : i32
      %get3A_377 = arith.index_cast %mul3A_376 : i32 to index
      %get3A_378 = arith.constant 2432 : index
      %get3A_379 = vector.load %arg6[%get3A_377, %get3A_378] : memref<256x8192xf32, #tpu.memory_space<vmem>>, vector<8x128xf32>
      %mul3A_380 = arith.constant 8 : i32
      %mul3A_381 = arith.muli %scan3A_120, %mul3A_380 : i32
      %get3A_382 = arith.index_cast %mul3A_381 : i32 to index
      %get3A_383 = arith.constant 2560 : index
      %get3A_384 = vector.load %arg6[%get3A_382, %get3A_383] : memref<256x8192xf32, #tpu.memory_space<vmem>>, vector<8x128xf32>
      %mul3A_385 = arith.constant 8 : i32
      %mul3A_386 = arith.muli %scan3A_120, %mul3A_385 : i32
      %get3A_387 = arith.index_cast %mul3A_386 : i32 to index
      %get3A_388 = arith.constant 2688 : index
      %get3A_389 = vector.load %arg6[%get3A_387, %get3A_388] : memref<256x8192xf32, #tpu.memory_space<vmem>>, vector<8x128xf32>
      %mul3A_390 = arith.constant 8 : i32
      %mul3A_391 = arith.muli %scan3A_120, %mul3A_390 : i32
      %get3A_392 = arith.index_cast %mul3A_391 : i32 to index
      %get3A_393 = arith.constant 2816 : index
      %get3A_394 = vector.load %arg6[%get3A_392, %get3A_393] : memref<256x8192xf32, #tpu.memory_space<vmem>>, vector<8x128xf32>
      %mul3A_395 = arith.constant 8 : i32
      %mul3A_396 = arith.muli %scan3A_120, %mul3A_395 : i32
      %get3A_397 = arith.index_cast %mul3A_396 : i32 to index
      %get3A_398 = arith.constant 2944 : index
      %get3A_399 = vector.load %arg6[%get3A_397, %get3A_398] : memref<256x8192xf32, #tpu.memory_space<vmem>>, vector<8x128xf32>
      %mul3A_400 = arith.constant 8 : i32
      %mul3A_401 = arith.muli %scan3A_120, %mul3A_400 : i32
      %get3A_402 = arith.index_cast %mul3A_401 : i32 to index
      %get3A_403 = arith.constant 3072 : index
      %get3A_404 = vector.load %arg6[%get3A_402, %get3A_403] : memref<256x8192xf32, #tpu.memory_space<vmem>>, vector<8x128xf32>
      %mul3A_405 = arith.constant 8 : i32
      %mul3A_406 = arith.muli %scan3A_120, %mul3A_405 : i32
      %get3A_407 = arith.index_cast %mul3A_406 : i32 to index
      %get3A_408 = arith.constant 3200 : index
      %get3A_409 = vector.load %arg6[%get3A_407, %get3A_408] : memref<256x8192xf32, #tpu.memory_space<vmem>>, vector<8x128xf32>
      %mul3A_410 = arith.constant 8 : i32
      %mul3A_411 = arith.muli %scan3A_120, %mul3A_410 : i32
      %get3A_412 = arith.index_cast %mul3A_411 : i32 to index
      %get3A_413 = arith.constant 3328 : index
      %get3A_414 = vector.load %arg6[%get3A_412, %get3A_413] : memref<256x8192xf32, #tpu.memory_space<vmem>>, vector<8x128xf32>
      %mul3A_415 = arith.constant 8 : i32
      %mul3A_416 = arith.muli %scan3A_120, %mul3A_415 : i32
      %get3A_417 = arith.index_cast %mul3A_416 : i32 to index
      %get3A_418 = arith.constant 3456 : index
      %get3A_419 = vector.load %arg6[%get3A_417, %get3A_418] : memref<256x8192xf32, #tpu.memory_space<vmem>>, vector<8x128xf32>
      %mul3A_420 = arith.constant 8 : i32
      %mul3A_421 = arith.muli %scan3A_120, %mul3A_420 : i32
      %get3A_422 = arith.index_cast %mul3A_421 : i32 to index
      %get3A_423 = arith.constant 3584 : index
      %get3A_424 = vector.load %arg6[%get3A_422, %get3A_423] : memref<256x8192xf32, #tpu.memory_space<vmem>>, vector<8x128xf32>
      %mul3A_425 = arith.constant 8 : i32
      %mul3A_426 = arith.muli %scan3A_120, %mul3A_425 : i32
      %get3A_427 = arith.index_cast %mul3A_426 : i32 to index
      %get3A_428 = arith.constant 3712 : index
      %get3A_429 = vector.load %arg6[%get3A_427, %get3A_428] : memref<256x8192xf32, #tpu.memory_space<vmem>>, vector<8x128xf32>
      %mul3A_430 = arith.constant 8 : i32
      %mul3A_431 = arith.muli %scan3A_120, %mul3A_430 : i32
      %get3A_432 = arith.index_cast %mul3A_431 : i32 to index
      %get3A_433 = arith.constant 3840 : index
      %get3A_434 = vector.load %arg6[%get3A_432, %get3A_433] : memref<256x8192xf32, #tpu.memory_space<vmem>>, vector<8x128xf32>
      %mul3A_435 = arith.constant 8 : i32
      %mul3A_436 = arith.muli %scan3A_120, %mul3A_435 : i32
      %get3A_437 = arith.index_cast %mul3A_436 : i32 to index
      %get3A_438 = arith.constant 3968 : index
      %get3A_439 = vector.load %arg6[%get3A_437, %get3A_438] : memref<256x8192xf32, #tpu.memory_space<vmem>>, vector<8x128xf32>
      %min3A_440 = arith.minimumf %get3A_364, %get3A_369 : vector<8x128xf32>
      %max3A_441 = arith.maximumf %get3A_364, %get3A_369 : vector<8x128xf32>
      %min3A_442 = arith.minimumf %get3A_374, %get3A_379 : vector<8x128xf32>
      %max3A_443 = arith.maximumf %get3A_374, %get3A_379 : vector<8x128xf32>
      %min3A_444 = arith.minimumf %get3A_384, %get3A_389 : vector<8x128xf32>
      %max3A_445 = arith.maximumf %get3A_384, %get3A_389 : vector<8x128xf32>
      %min3A_446 = arith.minimumf %get3A_394, %get3A_399 : vector<8x128xf32>
      %max3A_447 = arith.maximumf %get3A_394, %get3A_399 : vector<8x128xf32>
      %min3A_448 = arith.minimumf %get3A_404, %get3A_409 : vector<8x128xf32>
      %max3A_449 = arith.maximumf %get3A_404, %get3A_409 : vector<8x128xf32>
      %min3A_450 = arith.minimumf %get3A_414, %get3A_419 : vector<8x128xf32>
      %max3A_451 = arith.maximumf %get3A_414, %get3A_419 : vector<8x128xf32>
      %min3A_452 = arith.minimumf %get3A_424, %get3A_429 : vector<8x128xf32>
      %max3A_453 = arith.maximumf %get3A_424, %get3A_429 : vector<8x128xf32>
      %min3A_454 = arith.minimumf %get3A_434, %get3A_439 : vector<8x128xf32>
      %max3A_455 = arith.maximumf %get3A_434, %get3A_439 : vector<8x128xf32>
      %min3A_456 = arith.minimumf %min3A_440, %max3A_443 : vector<8x128xf32>
      %max3A_457 = arith.maximumf %min3A_440, %max3A_443 : vector<8x128xf32>
      %min3A_458 = arith.minimumf %max3A_441, %min3A_442 : vector<8x128xf32>
      %max3A_459 = arith.maximumf %max3A_441, %min3A_442 : vector<8x128xf32>
      %min3A_460 = arith.minimumf %min3A_444, %max3A_447 : vector<8x128xf32>
      %max3A_461 = arith.maximumf %min3A_444, %max3A_447 : vector<8x128xf32>
      %min3A_462 = arith.minimumf %max3A_445, %min3A_446 : vector<8x128xf32>
      %max3A_463 = arith.maximumf %max3A_445, %min3A_446 : vector<8x128xf32>
      %min3A_464 = arith.minimumf %min3A_448, %max3A_451 : vector<8x128xf32>
      %max3A_465 = arith.maximumf %min3A_448, %max3A_451 : vector<8x128xf32>
      %min3A_466 = arith.minimumf %max3A_449, %min3A_450 : vector<8x128xf32>
      %max3A_467 = arith.maximumf %max3A_449, %min3A_450 : vector<8x128xf32>
      %min3A_468 = arith.minimumf %min3A_452, %max3A_455 : vector<8x128xf32>
      %max3A_469 = arith.maximumf %min3A_452, %max3A_455 : vector<8x128xf32>
      %min3A_470 = arith.minimumf %max3A_453, %min3A_454 : vector<8x128xf32>
      %max3A_471 = arith.maximumf %max3A_453, %min3A_454 : vector<8x128xf32>
      %min3A_472 = arith.minimumf %min3A_456, %min3A_458 : vector<8x128xf32>
      %max3A_473 = arith.maximumf %min3A_456, %min3A_458 : vector<8x128xf32>
      %min3A_474 = arith.minimumf %max3A_457, %max3A_459 : vector<8x128xf32>
      %max3A_475 = arith.maximumf %max3A_457, %max3A_459 : vector<8x128xf32>
      %min3A_476 = arith.minimumf %max3A_461, %max3A_463 : vector<8x128xf32>
      %max3A_477 = arith.maximumf %max3A_461, %max3A_463 : vector<8x128xf32>
      %min3A_478 = arith.minimumf %min3A_460, %min3A_462 : vector<8x128xf32>
      %max3A_479 = arith.maximumf %min3A_460, %min3A_462 : vector<8x128xf32>
      %min3A_480 = arith.minimumf %min3A_464, %min3A_466 : vector<8x128xf32>
      %max3A_481 = arith.maximumf %min3A_464, %min3A_466 : vector<8x128xf32>
      %min3A_482 = arith.minimumf %max3A_465, %max3A_467 : vector<8x128xf32>
      %max3A_483 = arith.maximumf %max3A_465, %max3A_467 : vector<8x128xf32>
      %min3A_484 = arith.minimumf %max3A_469, %max3A_471 : vector<8x128xf32>
      %max3A_485 = arith.maximumf %max3A_469, %max3A_471 : vector<8x128xf32>
      %min3A_486 = arith.minimumf %min3A_468, %min3A_470 : vector<8x128xf32>
      %max3A_487 = arith.maximumf %min3A_468, %min3A_470 : vector<8x128xf32>
      %min3A_488 = arith.minimumf %min3A_472, %max3A_477 : vector<8x128xf32>
      %max3A_489 = arith.maximumf %min3A_472, %max3A_477 : vector<8x128xf32>
      %min3A_490 = arith.minimumf %max3A_473, %min3A_476 : vector<8x128xf32>
      %max3A_491 = arith.maximumf %max3A_473, %min3A_476 : vector<8x128xf32>
      %min3A_492 = arith.minimumf %min3A_474, %max3A_479 : vector<8x128xf32>
      %max3A_493 = arith.maximumf %min3A_474, %max3A_479 : vector<8x128xf32>
      %min3A_494 = arith.minimumf %max3A_475, %min3A_478 : vector<8x128xf32>
      %max3A_495 = arith.maximumf %max3A_475, %min3A_478 : vector<8x128xf32>
      %min3A_496 = arith.minimumf %min3A_480, %max3A_485 : vector<8x128xf32>
      %max3A_497 = arith.maximumf %min3A_480, %max3A_485 : vector<8x128xf32>
      %min3A_498 = arith.minimumf %max3A_481, %min3A_484 : vector<8x128xf32>
      %max3A_499 = arith.maximumf %max3A_481, %min3A_484 : vector<8x128xf32>
      %min3A_500 = arith.minimumf %min3A_482, %max3A_487 : vector<8x128xf32>
      %max3A_501 = arith.maximumf %min3A_482, %max3A_487 : vector<8x128xf32>
      %min3A_502 = arith.minimumf %max3A_483, %min3A_486 : vector<8x128xf32>
      %max3A_503 = arith.maximumf %max3A_483, %min3A_486 : vector<8x128xf32>
      %min3A_504 = arith.minimumf %min3A_488, %min3A_492 : vector<8x128xf32>
      %max3A_505 = arith.maximumf %min3A_488, %min3A_492 : vector<8x128xf32>
      %min3A_506 = arith.minimumf %min3A_490, %min3A_494 : vector<8x128xf32>
      %max3A_507 = arith.maximumf %min3A_490, %min3A_494 : vector<8x128xf32>
      %min3A_508 = arith.minimumf %max3A_489, %max3A_493 : vector<8x128xf32>
      %max3A_509 = arith.maximumf %max3A_489, %max3A_493 : vector<8x128xf32>
      %min3A_510 = arith.minimumf %max3A_491, %max3A_495 : vector<8x128xf32>
      %max3A_511 = arith.maximumf %max3A_491, %max3A_495 : vector<8x128xf32>
      %min3A_512 = arith.minimumf %max3A_497, %max3A_501 : vector<8x128xf32>
      %max3A_513 = arith.maximumf %max3A_497, %max3A_501 : vector<8x128xf32>
      %min3A_514 = arith.minimumf %max3A_499, %max3A_503 : vector<8x128xf32>
      %max3A_515 = arith.maximumf %max3A_499, %max3A_503 : vector<8x128xf32>
      %min3A_516 = arith.minimumf %min3A_496, %min3A_500 : vector<8x128xf32>
      %max3A_517 = arith.maximumf %min3A_496, %min3A_500 : vector<8x128xf32>
      %min3A_518 = arith.minimumf %min3A_498, %min3A_502 : vector<8x128xf32>
      %max3A_519 = arith.maximumf %min3A_498, %min3A_502 : vector<8x128xf32>
      %min3A_520 = arith.minimumf %min3A_504, %min3A_506 : vector<8x128xf32>
      %max3A_521 = arith.maximumf %min3A_504, %min3A_506 : vector<8x128xf32>
      %min3A_522 = arith.minimumf %max3A_505, %max3A_507 : vector<8x128xf32>
      %max3A_523 = arith.maximumf %max3A_505, %max3A_507 : vector<8x128xf32>
      %min3A_524 = arith.minimumf %min3A_508, %min3A_510 : vector<8x128xf32>
      %max3A_525 = arith.maximumf %min3A_508, %min3A_510 : vector<8x128xf32>
      %min3A_526 = arith.minimumf %max3A_509, %max3A_511 : vector<8x128xf32>
      %max3A_527 = arith.maximumf %max3A_509, %max3A_511 : vector<8x128xf32>
      %min3A_528 = arith.minimumf %max3A_513, %max3A_515 : vector<8x128xf32>
      %max3A_529 = arith.maximumf %max3A_513, %max3A_515 : vector<8x128xf32>
      %min3A_530 = arith.minimumf %min3A_512, %min3A_514 : vector<8x128xf32>
      %max3A_531 = arith.maximumf %min3A_512, %min3A_514 : vector<8x128xf32>
      %min3A_532 = arith.minimumf %max3A_517, %max3A_519 : vector<8x128xf32>
      %max3A_533 = arith.maximumf %max3A_517, %max3A_519 : vector<8x128xf32>
      %min3A_534 = arith.minimumf %min3A_516, %min3A_518 : vector<8x128xf32>
      %max3A_535 = arith.maximumf %min3A_516, %min3A_518 : vector<8x128xf32>
      %min3A_536 = arith.minimumf %min3A_520, %max3A_529 : vector<8x128xf32>
      %max3A_537 = arith.maximumf %min3A_520, %max3A_529 : vector<8x128xf32>
      %min3A_538 = arith.minimumf %max3A_521, %min3A_528 : vector<8x128xf32>
      %max3A_539 = arith.maximumf %max3A_521, %min3A_528 : vector<8x128xf32>
      %min3A_540 = arith.minimumf %min3A_522, %max3A_531 : vector<8x128xf32>
      %max3A_541 = arith.maximumf %min3A_522, %max3A_531 : vector<8x128xf32>
      %min3A_542 = arith.minimumf %max3A_523, %min3A_530 : vector<8x128xf32>
      %max3A_543 = arith.maximumf %max3A_523, %min3A_530 : vector<8x128xf32>
      %min3A_544 = arith.minimumf %min3A_524, %max3A_533 : vector<8x128xf32>
      %max3A_545 = arith.maximumf %min3A_524, %max3A_533 : vector<8x128xf32>
      %min3A_546 = arith.minimumf %max3A_525, %min3A_532 : vector<8x128xf32>
      %max3A_547 = arith.maximumf %max3A_525, %min3A_532 : vector<8x128xf32>
      %min3A_548 = arith.minimumf %min3A_526, %max3A_535 : vector<8x128xf32>
      %max3A_549 = arith.maximumf %min3A_526, %max3A_535 : vector<8x128xf32>
      %min3A_550 = arith.minimumf %max3A_527, %min3A_534 : vector<8x128xf32>
      %max3A_551 = arith.maximumf %max3A_527, %min3A_534 : vector<8x128xf32>
      %min3A_552 = arith.minimumf %min3A_536, %min3A_544 : vector<8x128xf32>
      %max3A_553 = arith.maximumf %min3A_536, %min3A_544 : vector<8x128xf32>
      %min3A_554 = arith.minimumf %min3A_538, %min3A_546 : vector<8x128xf32>
      %max3A_555 = arith.maximumf %min3A_538, %min3A_546 : vector<8x128xf32>
      %min3A_556 = arith.minimumf %min3A_540, %min3A_548 : vector<8x128xf32>
      %max3A_557 = arith.maximumf %min3A_540, %min3A_548 : vector<8x128xf32>
      %min3A_558 = arith.minimumf %min3A_542, %min3A_550 : vector<8x128xf32>
      %max3A_559 = arith.maximumf %min3A_542, %min3A_550 : vector<8x128xf32>
      %min3A_560 = arith.minimumf %max3A_537, %max3A_545 : vector<8x128xf32>
      %max3A_561 = arith.maximumf %max3A_537, %max3A_545 : vector<8x128xf32>
      %min3A_562 = arith.minimumf %max3A_539, %max3A_547 : vector<8x128xf32>
      %max3A_563 = arith.maximumf %max3A_539, %max3A_547 : vector<8x128xf32>
      %min3A_564 = arith.minimumf %max3A_541, %max3A_549 : vector<8x128xf32>
      %max3A_565 = arith.maximumf %max3A_541, %max3A_549 : vector<8x128xf32>
      %min3A_566 = arith.minimumf %max3A_543, %max3A_551 : vector<8x128xf32>
      %max3A_567 = arith.maximumf %max3A_543, %max3A_551 : vector<8x128xf32>
      %min3A_568 = arith.minimumf %min3A_552, %min3A_556 : vector<8x128xf32>
      %max3A_569 = arith.maximumf %min3A_552, %min3A_556 : vector<8x128xf32>
      %min3A_570 = arith.minimumf %min3A_554, %min3A_558 : vector<8x128xf32>
      %max3A_571 = arith.maximumf %min3A_554, %min3A_558 : vector<8x128xf32>
      %min3A_572 = arith.minimumf %max3A_553, %max3A_557 : vector<8x128xf32>
      %max3A_573 = arith.maximumf %max3A_553, %max3A_557 : vector<8x128xf32>
      %min3A_574 = arith.minimumf %max3A_555, %max3A_559 : vector<8x128xf32>
      %max3A_575 = arith.maximumf %max3A_555, %max3A_559 : vector<8x128xf32>
      %min3A_576 = arith.minimumf %min3A_560, %min3A_564 : vector<8x128xf32>
      %max3A_577 = arith.maximumf %min3A_560, %min3A_564 : vector<8x128xf32>
      %min3A_578 = arith.minimumf %min3A_562, %min3A_566 : vector<8x128xf32>
      %max3A_579 = arith.maximumf %min3A_562, %min3A_566 : vector<8x128xf32>
      %min3A_580 = arith.minimumf %max3A_561, %max3A_565 : vector<8x128xf32>
      %max3A_581 = arith.maximumf %max3A_561, %max3A_565 : vector<8x128xf32>
      %min3A_582 = arith.minimumf %max3A_563, %max3A_567 : vector<8x128xf32>
      %max3A_583 = arith.maximumf %max3A_563, %max3A_567 : vector<8x128xf32>
      %min3A_584 = arith.minimumf %min3A_568, %min3A_570 : vector<8x128xf32>
      %max3A_585 = arith.maximumf %min3A_568, %min3A_570 : vector<8x128xf32>
      %min3A_586 = arith.minimumf %max3A_569, %max3A_571 : vector<8x128xf32>
      %max3A_587 = arith.maximumf %max3A_569, %max3A_571 : vector<8x128xf32>
      %min3A_588 = arith.minimumf %min3A_572, %min3A_574 : vector<8x128xf32>
      %max3A_589 = arith.maximumf %min3A_572, %min3A_574 : vector<8x128xf32>
      %min3A_590 = arith.minimumf %max3A_573, %max3A_575 : vector<8x128xf32>
      %max3A_591 = arith.maximumf %max3A_573, %max3A_575 : vector<8x128xf32>
      %min3A_592 = arith.minimumf %min3A_576, %min3A_578 : vector<8x128xf32>
      %max3A_593 = arith.maximumf %min3A_576, %min3A_578 : vector<8x128xf32>
      %min3A_594 = arith.minimumf %max3A_577, %max3A_579 : vector<8x128xf32>
      %max3A_595 = arith.maximumf %max3A_577, %max3A_579 : vector<8x128xf32>
      %min3A_596 = arith.minimumf %min3A_580, %min3A_582 : vector<8x128xf32>
      %max3A_597 = arith.maximumf %min3A_580, %min3A_582 : vector<8x128xf32>
      %min3A_598 = arith.minimumf %max3A_581, %max3A_583 : vector<8x128xf32>
      %max3A_599 = arith.maximumf %max3A_581, %max3A_583 : vector<8x128xf32>
      %min3A_600 = arith.minimumf %min3A_344, %max3A_599 : vector<8x128xf32>
      %min3A_601 = arith.minimumf %max3A_345, %min3A_598 : vector<8x128xf32>
      %min3A_602 = arith.minimumf %min3A_346, %max3A_597 : vector<8x128xf32>
      %min3A_603 = arith.minimumf %max3A_347, %min3A_596 : vector<8x128xf32>
      %min3A_604 = arith.minimumf %min3A_348, %max3A_595 : vector<8x128xf32>
      %min3A_605 = arith.minimumf %max3A_349, %min3A_594 : vector<8x128xf32>
      %min3A_606 = arith.minimumf %min3A_350, %max3A_593 : vector<8x128xf32>
      %min3A_607 = arith.minimumf %max3A_351, %min3A_592 : vector<8x128xf32>
      %min3A_608 = arith.minimumf %min3A_352, %max3A_591 : vector<8x128xf32>
      %min3A_609 = arith.minimumf %max3A_353, %min3A_590 : vector<8x128xf32>
      %min3A_610 = arith.minimumf %min3A_354, %max3A_589 : vector<8x128xf32>
      %min3A_611 = arith.minimumf %max3A_355, %min3A_588 : vector<8x128xf32>
      %min3A_612 = arith.minimumf %min3A_356, %max3A_587 : vector<8x128xf32>
      %min3A_613 = arith.minimumf %max3A_357, %min3A_586 : vector<8x128xf32>
      %min3A_614 = arith.minimumf %min3A_358, %max3A_585 : vector<8x128xf32>
      %min3A_615 = arith.minimumf %max3A_359, %min3A_584 : vector<8x128xf32>
      %min3A_616 = arith.minimumf %min3A_600, %min3A_608 : vector<8x128xf32>
      %max3A_617 = arith.maximumf %min3A_600, %min3A_608 : vector<8x128xf32>
      %min3A_618 = arith.minimumf %min3A_601, %min3A_609 : vector<8x128xf32>
      %max3A_619 = arith.maximumf %min3A_601, %min3A_609 : vector<8x128xf32>
      %min3A_620 = arith.minimumf %min3A_602, %min3A_610 : vector<8x128xf32>
      %max3A_621 = arith.maximumf %min3A_602, %min3A_610 : vector<8x128xf32>
      %min3A_622 = arith.minimumf %min3A_603, %min3A_611 : vector<8x128xf32>
      %max3A_623 = arith.maximumf %min3A_603, %min3A_611 : vector<8x128xf32>
      %min3A_624 = arith.minimumf %min3A_604, %min3A_612 : vector<8x128xf32>
      %max3A_625 = arith.maximumf %min3A_604, %min3A_612 : vector<8x128xf32>
      %min3A_626 = arith.minimumf %min3A_605, %min3A_613 : vector<8x128xf32>
      %max3A_627 = arith.maximumf %min3A_605, %min3A_613 : vector<8x128xf32>
      %min3A_628 = arith.minimumf %min3A_606, %min3A_614 : vector<8x128xf32>
      %max3A_629 = arith.maximumf %min3A_606, %min3A_614 : vector<8x128xf32>
      %min3A_630 = arith.minimumf %min3A_607, %min3A_615 : vector<8x128xf32>
      %max3A_631 = arith.maximumf %min3A_607, %min3A_615 : vector<8x128xf32>
      %min3A_632 = arith.minimumf %min3A_616, %min3A_624 : vector<8x128xf32>
      %max3A_633 = arith.maximumf %min3A_616, %min3A_624 : vector<8x128xf32>
      %min3A_634 = arith.minimumf %min3A_618, %min3A_626 : vector<8x128xf32>
      %max3A_635 = arith.maximumf %min3A_618, %min3A_626 : vector<8x128xf32>
      %min3A_636 = arith.minimumf %min3A_620, %min3A_628 : vector<8x128xf32>
      %max3A_637 = arith.maximumf %min3A_620, %min3A_628 : vector<8x128xf32>
      %min3A_638 = arith.minimumf %min3A_622, %min3A_630 : vector<8x128xf32>
      %max3A_639 = arith.maximumf %min3A_622, %min3A_630 : vector<8x128xf32>
      %min3A_640 = arith.minimumf %max3A_617, %max3A_625 : vector<8x128xf32>
      %max3A_641 = arith.maximumf %max3A_617, %max3A_625 : vector<8x128xf32>
      %min3A_642 = arith.minimumf %max3A_619, %max3A_627 : vector<8x128xf32>
      %max3A_643 = arith.maximumf %max3A_619, %max3A_627 : vector<8x128xf32>
      %min3A_644 = arith.minimumf %max3A_621, %max3A_629 : vector<8x128xf32>
      %max3A_645 = arith.maximumf %max3A_621, %max3A_629 : vector<8x128xf32>
      %min3A_646 = arith.minimumf %max3A_623, %max3A_631 : vector<8x128xf32>
      %max3A_647 = arith.maximumf %max3A_623, %max3A_631 : vector<8x128xf32>
      %min3A_648 = arith.minimumf %min3A_632, %min3A_636 : vector<8x128xf32>
      %max3A_649 = arith.maximumf %min3A_632, %min3A_636 : vector<8x128xf32>
      %min3A_650 = arith.minimumf %min3A_634, %min3A_638 : vector<8x128xf32>
      %max3A_651 = arith.maximumf %min3A_634, %min3A_638 : vector<8x128xf32>
      %min3A_652 = arith.minimumf %max3A_633, %max3A_637 : vector<8x128xf32>
      %max3A_653 = arith.maximumf %max3A_633, %max3A_637 : vector<8x128xf32>
      %min3A_654 = arith.minimumf %max3A_635, %max3A_639 : vector<8x128xf32>
      %max3A_655 = arith.maximumf %max3A_635, %max3A_639 : vector<8x128xf32>
      %min3A_656 = arith.minimumf %min3A_640, %min3A_644 : vector<8x128xf32>
      %max3A_657 = arith.maximumf %min3A_640, %min3A_644 : vector<8x128xf32>
      %min3A_658 = arith.minimumf %min3A_642, %min3A_646 : vector<8x128xf32>
      %max3A_659 = arith.maximumf %min3A_642, %min3A_646 : vector<8x128xf32>
      %min3A_660 = arith.minimumf %max3A_641, %max3A_645 : vector<8x128xf32>
      %max3A_661 = arith.maximumf %max3A_641, %max3A_645 : vector<8x128xf32>
      %min3A_662 = arith.minimumf %max3A_643, %max3A_647 : vector<8x128xf32>
      %max3A_663 = arith.maximumf %max3A_643, %max3A_647 : vector<8x128xf32>
      %min3A_664 = arith.minimumf %min3A_648, %min3A_650 : vector<8x128xf32>
      %max3A_665 = arith.maximumf %min3A_648, %min3A_650 : vector<8x128xf32>
      %min3A_666 = arith.minimumf %max3A_649, %max3A_651 : vector<8x128xf32>
      %max3A_667 = arith.maximumf %max3A_649, %max3A_651 : vector<8x128xf32>
      %min3A_668 = arith.minimumf %min3A_652, %min3A_654 : vector<8x128xf32>
      %max3A_669 = arith.maximumf %min3A_652, %min3A_654 : vector<8x128xf32>
      %min3A_670 = arith.minimumf %max3A_653, %max3A_655 : vector<8x128xf32>
      %max3A_671 = arith.maximumf %max3A_653, %max3A_655 : vector<8x128xf32>
      %min3A_672 = arith.minimumf %min3A_656, %min3A_658 : vector<8x128xf32>
      %max3A_673 = arith.maximumf %min3A_656, %min3A_658 : vector<8x128xf32>
      %min3A_674 = arith.minimumf %max3A_657, %max3A_659 : vector<8x128xf32>
      %max3A_675 = arith.maximumf %max3A_657, %max3A_659 : vector<8x128xf32>
      %min3A_676 = arith.minimumf %min3A_660, %min3A_662 : vector<8x128xf32>
      %max3A_677 = arith.maximumf %min3A_660, %min3A_662 : vector<8x128xf32>
      %min3A_678 = arith.minimumf %max3A_661, %max3A_663 : vector<8x128xf32>
      %max3A_679 = arith.maximumf %max3A_661, %max3A_663 : vector<8x128xf32>
      %mul3A_680 = arith.constant 8 : i32
      %mul3A_681 = arith.muli %scan3A_120, %mul3A_680 : i32
      %get3A_682 = arith.index_cast %mul3A_681 : i32 to index
      %get3A_683 = arith.constant 4096 : index
      %get3A_684 = vector.load %arg6[%get3A_682, %get3A_683] : memref<256x8192xf32, #tpu.memory_space<vmem>>, vector<8x128xf32>
      %mul3A_685 = arith.constant 8 : i32
      %mul3A_686 = arith.muli %scan3A_120, %mul3A_685 : i32
      %get3A_687 = arith.index_cast %mul3A_686 : i32 to index
      %get3A_688 = arith.constant 4224 : index
      %get3A_689 = vector.load %arg6[%get3A_687, %get3A_688] : memref<256x8192xf32, #tpu.memory_space<vmem>>, vector<8x128xf32>
      %mul3A_690 = arith.constant 8 : i32
      %mul3A_691 = arith.muli %scan3A_120, %mul3A_690 : i32
      %get3A_692 = arith.index_cast %mul3A_691 : i32 to index
      %get3A_693 = arith.constant 4352 : index
      %get3A_694 = vector.load %arg6[%get3A_692, %get3A_693] : memref<256x8192xf32, #tpu.memory_space<vmem>>, vector<8x128xf32>
      %mul3A_695 = arith.constant 8 : i32
      %mul3A_696 = arith.muli %scan3A_120, %mul3A_695 : i32
      %get3A_697 = arith.index_cast %mul3A_696 : i32 to index
      %get3A_698 = arith.constant 4480 : index
      %get3A_699 = vector.load %arg6[%get3A_697, %get3A_698] : memref<256x8192xf32, #tpu.memory_space<vmem>>, vector<8x128xf32>
      %mul3A_700 = arith.constant 8 : i32
      %mul3A_701 = arith.muli %scan3A_120, %mul3A_700 : i32
      %get3A_702 = arith.index_cast %mul3A_701 : i32 to index
      %get3A_703 = arith.constant 4608 : index
      %get3A_704 = vector.load %arg6[%get3A_702, %get3A_703] : memref<256x8192xf32, #tpu.memory_space<vmem>>, vector<8x128xf32>
      %mul3A_705 = arith.constant 8 : i32
      %mul3A_706 = arith.muli %scan3A_120, %mul3A_705 : i32
      %get3A_707 = arith.index_cast %mul3A_706 : i32 to index
      %get3A_708 = arith.constant 4736 : index
      %get3A_709 = vector.load %arg6[%get3A_707, %get3A_708] : memref<256x8192xf32, #tpu.memory_space<vmem>>, vector<8x128xf32>
      %mul3A_710 = arith.constant 8 : i32
      %mul3A_711 = arith.muli %scan3A_120, %mul3A_710 : i32
      %get3A_712 = arith.index_cast %mul3A_711 : i32 to index
      %get3A_713 = arith.constant 4864 : index
      %get3A_714 = vector.load %arg6[%get3A_712, %get3A_713] : memref<256x8192xf32, #tpu.memory_space<vmem>>, vector<8x128xf32>
      %mul3A_715 = arith.constant 8 : i32
      %mul3A_716 = arith.muli %scan3A_120, %mul3A_715 : i32
      %get3A_717 = arith.index_cast %mul3A_716 : i32 to index
      %get3A_718 = arith.constant 4992 : index
      %get3A_719 = vector.load %arg6[%get3A_717, %get3A_718] : memref<256x8192xf32, #tpu.memory_space<vmem>>, vector<8x128xf32>
      %mul3A_720 = arith.constant 8 : i32
      %mul3A_721 = arith.muli %scan3A_120, %mul3A_720 : i32
      %get3A_722 = arith.index_cast %mul3A_721 : i32 to index
      %get3A_723 = arith.constant 5120 : index
      %get3A_724 = vector.load %arg6[%get3A_722, %get3A_723] : memref<256x8192xf32, #tpu.memory_space<vmem>>, vector<8x128xf32>
      %mul3A_725 = arith.constant 8 : i32
      %mul3A_726 = arith.muli %scan3A_120, %mul3A_725 : i32
      %get3A_727 = arith.index_cast %mul3A_726 : i32 to index
      %get3A_728 = arith.constant 5248 : index
      %get3A_729 = vector.load %arg6[%get3A_727, %get3A_728] : memref<256x8192xf32, #tpu.memory_space<vmem>>, vector<8x128xf32>
      %mul3A_730 = arith.constant 8 : i32
      %mul3A_731 = arith.muli %scan3A_120, %mul3A_730 : i32
      %get3A_732 = arith.index_cast %mul3A_731 : i32 to index
      %get3A_733 = arith.constant 5376 : index
      %get3A_734 = vector.load %arg6[%get3A_732, %get3A_733] : memref<256x8192xf32, #tpu.memory_space<vmem>>, vector<8x128xf32>
      %mul3A_735 = arith.constant 8 : i32
      %mul3A_736 = arith.muli %scan3A_120, %mul3A_735 : i32
      %get3A_737 = arith.index_cast %mul3A_736 : i32 to index
      %get3A_738 = arith.constant 5504 : index
      %get3A_739 = vector.load %arg6[%get3A_737, %get3A_738] : memref<256x8192xf32, #tpu.memory_space<vmem>>, vector<8x128xf32>
      %mul3A_740 = arith.constant 8 : i32
      %mul3A_741 = arith.muli %scan3A_120, %mul3A_740 : i32
      %get3A_742 = arith.index_cast %mul3A_741 : i32 to index
      %get3A_743 = arith.constant 5632 : index
      %get3A_744 = vector.load %arg6[%get3A_742, %get3A_743] : memref<256x8192xf32, #tpu.memory_space<vmem>>, vector<8x128xf32>
      %mul3A_745 = arith.constant 8 : i32
      %mul3A_746 = arith.muli %scan3A_120, %mul3A_745 : i32
      %get3A_747 = arith.index_cast %mul3A_746 : i32 to index
      %get3A_748 = arith.constant 5760 : index
      %get3A_749 = vector.load %arg6[%get3A_747, %get3A_748] : memref<256x8192xf32, #tpu.memory_space<vmem>>, vector<8x128xf32>
      %mul3A_750 = arith.constant 8 : i32
      %mul3A_751 = arith.muli %scan3A_120, %mul3A_750 : i32
      %get3A_752 = arith.index_cast %mul3A_751 : i32 to index
      %get3A_753 = arith.constant 5888 : index
      %get3A_754 = vector.load %arg6[%get3A_752, %get3A_753] : memref<256x8192xf32, #tpu.memory_space<vmem>>, vector<8x128xf32>
      %mul3A_755 = arith.constant 8 : i32
      %mul3A_756 = arith.muli %scan3A_120, %mul3A_755 : i32
      %get3A_757 = arith.index_cast %mul3A_756 : i32 to index
      %get3A_758 = arith.constant 6016 : index
      %get3A_759 = vector.load %arg6[%get3A_757, %get3A_758] : memref<256x8192xf32, #tpu.memory_space<vmem>>, vector<8x128xf32>
      %min3A_760 = arith.minimumf %get3A_684, %get3A_689 : vector<8x128xf32>
      %max3A_761 = arith.maximumf %get3A_684, %get3A_689 : vector<8x128xf32>
      %min3A_762 = arith.minimumf %get3A_694, %get3A_699 : vector<8x128xf32>
      %max3A_763 = arith.maximumf %get3A_694, %get3A_699 : vector<8x128xf32>
      %min3A_764 = arith.minimumf %get3A_704, %get3A_709 : vector<8x128xf32>
      %max3A_765 = arith.maximumf %get3A_704, %get3A_709 : vector<8x128xf32>
      %min3A_766 = arith.minimumf %get3A_714, %get3A_719 : vector<8x128xf32>
      %max3A_767 = arith.maximumf %get3A_714, %get3A_719 : vector<8x128xf32>
      %min3A_768 = arith.minimumf %get3A_724, %get3A_729 : vector<8x128xf32>
      %max3A_769 = arith.maximumf %get3A_724, %get3A_729 : vector<8x128xf32>
      %min3A_770 = arith.minimumf %get3A_734, %get3A_739 : vector<8x128xf32>
      %max3A_771 = arith.maximumf %get3A_734, %get3A_739 : vector<8x128xf32>
      %min3A_772 = arith.minimumf %get3A_744, %get3A_749 : vector<8x128xf32>
      %max3A_773 = arith.maximumf %get3A_744, %get3A_749 : vector<8x128xf32>
      %min3A_774 = arith.minimumf %get3A_754, %get3A_759 : vector<8x128xf32>
      %max3A_775 = arith.maximumf %get3A_754, %get3A_759 : vector<8x128xf32>
      %min3A_776 = arith.minimumf %min3A_760, %max3A_763 : vector<8x128xf32>
      %max3A_777 = arith.maximumf %min3A_760, %max3A_763 : vector<8x128xf32>
      %min3A_778 = arith.minimumf %max3A_761, %min3A_762 : vector<8x128xf32>
      %max3A_779 = arith.maximumf %max3A_761, %min3A_762 : vector<8x128xf32>
      %min3A_780 = arith.minimumf %min3A_764, %max3A_767 : vector<8x128xf32>
      %max3A_781 = arith.maximumf %min3A_764, %max3A_767 : vector<8x128xf32>
      %min3A_782 = arith.minimumf %max3A_765, %min3A_766 : vector<8x128xf32>
      %max3A_783 = arith.maximumf %max3A_765, %min3A_766 : vector<8x128xf32>
      %min3A_784 = arith.minimumf %min3A_768, %max3A_771 : vector<8x128xf32>
      %max3A_785 = arith.maximumf %min3A_768, %max3A_771 : vector<8x128xf32>
      %min3A_786 = arith.minimumf %max3A_769, %min3A_770 : vector<8x128xf32>
      %max3A_787 = arith.maximumf %max3A_769, %min3A_770 : vector<8x128xf32>
      %min3A_788 = arith.minimumf %min3A_772, %max3A_775 : vector<8x128xf32>
      %max3A_789 = arith.maximumf %min3A_772, %max3A_775 : vector<8x128xf32>
      %min3A_790 = arith.minimumf %max3A_773, %min3A_774 : vector<8x128xf32>
      %max3A_791 = arith.maximumf %max3A_773, %min3A_774 : vector<8x128xf32>
      %min3A_792 = arith.minimumf %min3A_776, %min3A_778 : vector<8x128xf32>
      %max3A_793 = arith.maximumf %min3A_776, %min3A_778 : vector<8x128xf32>
      %min3A_794 = arith.minimumf %max3A_777, %max3A_779 : vector<8x128xf32>
      %max3A_795 = arith.maximumf %max3A_777, %max3A_779 : vector<8x128xf32>
      %min3A_796 = arith.minimumf %max3A_781, %max3A_783 : vector<8x128xf32>
      %max3A_797 = arith.maximumf %max3A_781, %max3A_783 : vector<8x128xf32>
      %min3A_798 = arith.minimumf %min3A_780, %min3A_782 : vector<8x128xf32>
      %max3A_799 = arith.maximumf %min3A_780, %min3A_782 : vector<8x128xf32>
      %min3A_800 = arith.minimumf %min3A_784, %min3A_786 : vector<8x128xf32>
      %max3A_801 = arith.maximumf %min3A_784, %min3A_786 : vector<8x128xf32>
      %min3A_802 = arith.minimumf %max3A_785, %max3A_787 : vector<8x128xf32>
      %max3A_803 = arith.maximumf %max3A_785, %max3A_787 : vector<8x128xf32>
      %min3A_804 = arith.minimumf %max3A_789, %max3A_791 : vector<8x128xf32>
      %max3A_805 = arith.maximumf %max3A_789, %max3A_791 : vector<8x128xf32>
      %min3A_806 = arith.minimumf %min3A_788, %min3A_790 : vector<8x128xf32>
      %max3A_807 = arith.maximumf %min3A_788, %min3A_790 : vector<8x128xf32>
      %min3A_808 = arith.minimumf %min3A_792, %max3A_797 : vector<8x128xf32>
      %max3A_809 = arith.maximumf %min3A_792, %max3A_797 : vector<8x128xf32>
      %min3A_810 = arith.minimumf %max3A_793, %min3A_796 : vector<8x128xf32>
      %max3A_811 = arith.maximumf %max3A_793, %min3A_796 : vector<8x128xf32>
      %min3A_812 = arith.minimumf %min3A_794, %max3A_799 : vector<8x128xf32>
      %max3A_813 = arith.maximumf %min3A_794, %max3A_799 : vector<8x128xf32>
      %min3A_814 = arith.minimumf %max3A_795, %min3A_798 : vector<8x128xf32>
      %max3A_815 = arith.maximumf %max3A_795, %min3A_798 : vector<8x128xf32>
      %min3A_816 = arith.minimumf %min3A_800, %max3A_805 : vector<8x128xf32>
      %max3A_817 = arith.maximumf %min3A_800, %max3A_805 : vector<8x128xf32>
      %min3A_818 = arith.minimumf %max3A_801, %min3A_804 : vector<8x128xf32>
      %max3A_819 = arith.maximumf %max3A_801, %min3A_804 : vector<8x128xf32>
      %min3A_820 = arith.minimumf %min3A_802, %max3A_807 : vector<8x128xf32>
      %max3A_821 = arith.maximumf %min3A_802, %max3A_807 : vector<8x128xf32>
      %min3A_822 = arith.minimumf %max3A_803, %min3A_806 : vector<8x128xf32>
      %max3A_823 = arith.maximumf %max3A_803, %min3A_806 : vector<8x128xf32>
      %min3A_824 = arith.minimumf %min3A_808, %min3A_812 : vector<8x128xf32>
      %max3A_825 = arith.maximumf %min3A_808, %min3A_812 : vector<8x128xf32>
      %min3A_826 = arith.minimumf %min3A_810, %min3A_814 : vector<8x128xf32>
      %max3A_827 = arith.maximumf %min3A_810, %min3A_814 : vector<8x128xf32>
      %min3A_828 = arith.minimumf %max3A_809, %max3A_813 : vector<8x128xf32>
      %max3A_829 = arith.maximumf %max3A_809, %max3A_813 : vector<8x128xf32>
      %min3A_830 = arith.minimumf %max3A_811, %max3A_815 : vector<8x128xf32>
      %max3A_831 = arith.maximumf %max3A_811, %max3A_815 : vector<8x128xf32>
      %min3A_832 = arith.minimumf %max3A_817, %max3A_821 : vector<8x128xf32>
      %max3A_833 = arith.maximumf %max3A_817, %max3A_821 : vector<8x128xf32>
      %min3A_834 = arith.minimumf %max3A_819, %max3A_823 : vector<8x128xf32>
      %max3A_835 = arith.maximumf %max3A_819, %max3A_823 : vector<8x128xf32>
      %min3A_836 = arith.minimumf %min3A_816, %min3A_820 : vector<8x128xf32>
      %max3A_837 = arith.maximumf %min3A_816, %min3A_820 : vector<8x128xf32>
      %min3A_838 = arith.minimumf %min3A_818, %min3A_822 : vector<8x128xf32>
      %max3A_839 = arith.maximumf %min3A_818, %min3A_822 : vector<8x128xf32>
      %min3A_840 = arith.minimumf %min3A_824, %min3A_826 : vector<8x128xf32>
      %max3A_841 = arith.maximumf %min3A_824, %min3A_826 : vector<8x128xf32>
      %min3A_842 = arith.minimumf %max3A_825, %max3A_827 : vector<8x128xf32>
      %max3A_843 = arith.maximumf %max3A_825, %max3A_827 : vector<8x128xf32>
      %min3A_844 = arith.minimumf %min3A_828, %min3A_830 : vector<8x128xf32>
      %max3A_845 = arith.maximumf %min3A_828, %min3A_830 : vector<8x128xf32>
      %min3A_846 = arith.minimumf %max3A_829, %max3A_831 : vector<8x128xf32>
      %max3A_847 = arith.maximumf %max3A_829, %max3A_831 : vector<8x128xf32>
      %min3A_848 = arith.minimumf %max3A_833, %max3A_835 : vector<8x128xf32>
      %max3A_849 = arith.maximumf %max3A_833, %max3A_835 : vector<8x128xf32>
      %min3A_850 = arith.minimumf %min3A_832, %min3A_834 : vector<8x128xf32>
      %max3A_851 = arith.maximumf %min3A_832, %min3A_834 : vector<8x128xf32>
      %min3A_852 = arith.minimumf %max3A_837, %max3A_839 : vector<8x128xf32>
      %max3A_853 = arith.maximumf %max3A_837, %max3A_839 : vector<8x128xf32>
      %min3A_854 = arith.minimumf %min3A_836, %min3A_838 : vector<8x128xf32>
      %max3A_855 = arith.maximumf %min3A_836, %min3A_838 : vector<8x128xf32>
      %min3A_856 = arith.minimumf %min3A_840, %max3A_849 : vector<8x128xf32>
      %max3A_857 = arith.maximumf %min3A_840, %max3A_849 : vector<8x128xf32>
      %min3A_858 = arith.minimumf %max3A_841, %min3A_848 : vector<8x128xf32>
      %max3A_859 = arith.maximumf %max3A_841, %min3A_848 : vector<8x128xf32>
      %min3A_860 = arith.minimumf %min3A_842, %max3A_851 : vector<8x128xf32>
      %max3A_861 = arith.maximumf %min3A_842, %max3A_851 : vector<8x128xf32>
      %min3A_862 = arith.minimumf %max3A_843, %min3A_850 : vector<8x128xf32>
      %max3A_863 = arith.maximumf %max3A_843, %min3A_850 : vector<8x128xf32>
      %min3A_864 = arith.minimumf %min3A_844, %max3A_853 : vector<8x128xf32>
      %max3A_865 = arith.maximumf %min3A_844, %max3A_853 : vector<8x128xf32>
      %min3A_866 = arith.minimumf %max3A_845, %min3A_852 : vector<8x128xf32>
      %max3A_867 = arith.maximumf %max3A_845, %min3A_852 : vector<8x128xf32>
      %min3A_868 = arith.minimumf %min3A_846, %max3A_855 : vector<8x128xf32>
      %max3A_869 = arith.maximumf %min3A_846, %max3A_855 : vector<8x128xf32>
      %min3A_870 = arith.minimumf %max3A_847, %min3A_854 : vector<8x128xf32>
      %max3A_871 = arith.maximumf %max3A_847, %min3A_854 : vector<8x128xf32>
      %min3A_872 = arith.minimumf %min3A_856, %min3A_864 : vector<8x128xf32>
      %max3A_873 = arith.maximumf %min3A_856, %min3A_864 : vector<8x128xf32>
      %min3A_874 = arith.minimumf %min3A_858, %min3A_866 : vector<8x128xf32>
      %max3A_875 = arith.maximumf %min3A_858, %min3A_866 : vector<8x128xf32>
      %min3A_876 = arith.minimumf %min3A_860, %min3A_868 : vector<8x128xf32>
      %max3A_877 = arith.maximumf %min3A_860, %min3A_868 : vector<8x128xf32>
      %min3A_878 = arith.minimumf %min3A_862, %min3A_870 : vector<8x128xf32>
      %max3A_879 = arith.maximumf %min3A_862, %min3A_870 : vector<8x128xf32>
      %min3A_880 = arith.minimumf %max3A_857, %max3A_865 : vector<8x128xf32>
      %max3A_881 = arith.maximumf %max3A_857, %max3A_865 : vector<8x128xf32>
      %min3A_882 = arith.minimumf %max3A_859, %max3A_867 : vector<8x128xf32>
      %max3A_883 = arith.maximumf %max3A_859, %max3A_867 : vector<8x128xf32>
      %min3A_884 = arith.minimumf %max3A_861, %max3A_869 : vector<8x128xf32>
      %max3A_885 = arith.maximumf %max3A_861, %max3A_869 : vector<8x128xf32>
      %min3A_886 = arith.minimumf %max3A_863, %max3A_871 : vector<8x128xf32>
      %max3A_887 = arith.maximumf %max3A_863, %max3A_871 : vector<8x128xf32>
      %min3A_888 = arith.minimumf %min3A_872, %min3A_876 : vector<8x128xf32>
      %max3A_889 = arith.maximumf %min3A_872, %min3A_876 : vector<8x128xf32>
      %min3A_890 = arith.minimumf %min3A_874, %min3A_878 : vector<8x128xf32>
      %max3A_891 = arith.maximumf %min3A_874, %min3A_878 : vector<8x128xf32>
      %min3A_892 = arith.minimumf %max3A_873, %max3A_877 : vector<8x128xf32>
      %max3A_893 = arith.maximumf %max3A_873, %max3A_877 : vector<8x128xf32>
      %min3A_894 = arith.minimumf %max3A_875, %max3A_879 : vector<8x128xf32>
      %max3A_895 = arith.maximumf %max3A_875, %max3A_879 : vector<8x128xf32>
      %min3A_896 = arith.minimumf %min3A_880, %min3A_884 : vector<8x128xf32>
      %max3A_897 = arith.maximumf %min3A_880, %min3A_884 : vector<8x128xf32>
      %min3A_898 = arith.minimumf %min3A_882, %min3A_886 : vector<8x128xf32>
      %max3A_899 = arith.maximumf %min3A_882, %min3A_886 : vector<8x128xf32>
      %min3A_900 = arith.minimumf %max3A_881, %max3A_885 : vector<8x128xf32>
      %max3A_901 = arith.maximumf %max3A_881, %max3A_885 : vector<8x128xf32>
      %min3A_902 = arith.minimumf %max3A_883, %max3A_887 : vector<8x128xf32>
      %max3A_903 = arith.maximumf %max3A_883, %max3A_887 : vector<8x128xf32>
      %min3A_904 = arith.minimumf %min3A_888, %min3A_890 : vector<8x128xf32>
      %max3A_905 = arith.maximumf %min3A_888, %min3A_890 : vector<8x128xf32>
      %min3A_906 = arith.minimumf %max3A_889, %max3A_891 : vector<8x128xf32>
      %max3A_907 = arith.maximumf %max3A_889, %max3A_891 : vector<8x128xf32>
      %min3A_908 = arith.minimumf %min3A_892, %min3A_894 : vector<8x128xf32>
      %max3A_909 = arith.maximumf %min3A_892, %min3A_894 : vector<8x128xf32>
      %min3A_910 = arith.minimumf %max3A_893, %max3A_895 : vector<8x128xf32>
      %max3A_911 = arith.maximumf %max3A_893, %max3A_895 : vector<8x128xf32>
      %min3A_912 = arith.minimumf %min3A_896, %min3A_898 : vector<8x128xf32>
      %max3A_913 = arith.maximumf %min3A_896, %min3A_898 : vector<8x128xf32>
      %min3A_914 = arith.minimumf %max3A_897, %max3A_899 : vector<8x128xf32>
      %max3A_915 = arith.maximumf %max3A_897, %max3A_899 : vector<8x128xf32>
      %min3A_916 = arith.minimumf %min3A_900, %min3A_902 : vector<8x128xf32>
      %max3A_917 = arith.maximumf %min3A_900, %min3A_902 : vector<8x128xf32>
      %min3A_918 = arith.minimumf %max3A_901, %max3A_903 : vector<8x128xf32>
      %max3A_919 = arith.maximumf %max3A_901, %max3A_903 : vector<8x128xf32>
      %min3A_920 = arith.minimumf %min3A_664, %max3A_919 : vector<8x128xf32>
      %min3A_921 = arith.minimumf %max3A_665, %min3A_918 : vector<8x128xf32>
      %min3A_922 = arith.minimumf %min3A_666, %max3A_917 : vector<8x128xf32>
      %min3A_923 = arith.minimumf %max3A_667, %min3A_916 : vector<8x128xf32>
      %min3A_924 = arith.minimumf %min3A_668, %max3A_915 : vector<8x128xf32>
      %min3A_925 = arith.minimumf %max3A_669, %min3A_914 : vector<8x128xf32>
      %min3A_926 = arith.minimumf %min3A_670, %max3A_913 : vector<8x128xf32>
      %min3A_927 = arith.minimumf %max3A_671, %min3A_912 : vector<8x128xf32>
      %min3A_928 = arith.minimumf %min3A_672, %max3A_911 : vector<8x128xf32>
      %min3A_929 = arith.minimumf %max3A_673, %min3A_910 : vector<8x128xf32>
      %min3A_930 = arith.minimumf %min3A_674, %max3A_909 : vector<8x128xf32>
      %min3A_931 = arith.minimumf %max3A_675, %min3A_908 : vector<8x128xf32>
      %min3A_932 = arith.minimumf %min3A_676, %max3A_907 : vector<8x128xf32>
      %min3A_933 = arith.minimumf %max3A_677, %min3A_906 : vector<8x128xf32>
      %min3A_934 = arith.minimumf %min3A_678, %max3A_905 : vector<8x128xf32>
      %min3A_935 = arith.minimumf %max3A_679, %min3A_904 : vector<8x128xf32>
      %min3A_936 = arith.minimumf %min3A_920, %min3A_928 : vector<8x128xf32>
      %max3A_937 = arith.maximumf %min3A_920, %min3A_928 : vector<8x128xf32>
      %min3A_938 = arith.minimumf %min3A_921, %min3A_929 : vector<8x128xf32>
      %max3A_939 = arith.maximumf %min3A_921, %min3A_929 : vector<8x128xf32>
      %min3A_940 = arith.minimumf %min3A_922, %min3A_930 : vector<8x128xf32>
      %max3A_941 = arith.maximumf %min3A_922, %min3A_930 : vector<8x128xf32>
      %min3A_942 = arith.minimumf %min3A_923, %min3A_931 : vector<8x128xf32>
      %max3A_943 = arith.maximumf %min3A_923, %min3A_931 : vector<8x128xf32>
      %min3A_944 = arith.minimumf %min3A_924, %min3A_932 : vector<8x128xf32>
      %max3A_945 = arith.maximumf %min3A_924, %min3A_932 : vector<8x128xf32>
      %min3A_946 = arith.minimumf %min3A_925, %min3A_933 : vector<8x128xf32>
      %max3A_947 = arith.maximumf %min3A_925, %min3A_933 : vector<8x128xf32>
      %min3A_948 = arith.minimumf %min3A_926, %min3A_934 : vector<8x128xf32>
      %max3A_949 = arith.maximumf %min3A_926, %min3A_934 : vector<8x128xf32>
      %min3A_950 = arith.minimumf %min3A_927, %min3A_935 : vector<8x128xf32>
      %max3A_951 = arith.maximumf %min3A_927, %min3A_935 : vector<8x128xf32>
      %min3A_952 = arith.minimumf %min3A_936, %min3A_944 : vector<8x128xf32>
      %max3A_953 = arith.maximumf %min3A_936, %min3A_944 : vector<8x128xf32>
      %min3A_954 = arith.minimumf %min3A_938, %min3A_946 : vector<8x128xf32>
      %max3A_955 = arith.maximumf %min3A_938, %min3A_946 : vector<8x128xf32>
      %min3A_956 = arith.minimumf %min3A_940, %min3A_948 : vector<8x128xf32>
      %max3A_957 = arith.maximumf %min3A_940, %min3A_948 : vector<8x128xf32>
      %min3A_958 = arith.minimumf %min3A_942, %min3A_950 : vector<8x128xf32>
      %max3A_959 = arith.maximumf %min3A_942, %min3A_950 : vector<8x128xf32>
      %min3A_960 = arith.minimumf %max3A_937, %max3A_945 : vector<8x128xf32>
      %max3A_961 = arith.maximumf %max3A_937, %max3A_945 : vector<8x128xf32>
      %min3A_962 = arith.minimumf %max3A_939, %max3A_947 : vector<8x128xf32>
      %max3A_963 = arith.maximumf %max3A_939, %max3A_947 : vector<8x128xf32>
      %min3A_964 = arith.minimumf %max3A_941, %max3A_949 : vector<8x128xf32>
      %max3A_965 = arith.maximumf %max3A_941, %max3A_949 : vector<8x128xf32>
      %min3A_966 = arith.minimumf %max3A_943, %max3A_951 : vector<8x128xf32>
      %max3A_967 = arith.maximumf %max3A_943, %max3A_951 : vector<8x128xf32>
      %min3A_968 = arith.minimumf %min3A_952, %min3A_956 : vector<8x128xf32>
      %max3A_969 = arith.maximumf %min3A_952, %min3A_956 : vector<8x128xf32>
      %min3A_970 = arith.minimumf %min3A_954, %min3A_958 : vector<8x128xf32>
      %max3A_971 = arith.maximumf %min3A_954, %min3A_958 : vector<8x128xf32>
      %min3A_972 = arith.minimumf %max3A_953, %max3A_957 : vector<8x128xf32>
      %max3A_973 = arith.maximumf %max3A_953, %max3A_957 : vector<8x128xf32>
      %min3A_974 = arith.minimumf %max3A_955, %max3A_959 : vector<8x128xf32>
      %max3A_975 = arith.maximumf %max3A_955, %max3A_959 : vector<8x128xf32>
      %min3A_976 = arith.minimumf %min3A_960, %min3A_964 : vector<8x128xf32>
      %max3A_977 = arith.maximumf %min3A_960, %min3A_964 : vector<8x128xf32>
      %min3A_978 = arith.minimumf %min3A_962, %min3A_966 : vector<8x128xf32>
      %max3A_979 = arith.maximumf %min3A_962, %min3A_966 : vector<8x128xf32>
      %min3A_980 = arith.minimumf %max3A_961, %max3A_965 : vector<8x128xf32>
      %max3A_981 = arith.maximumf %max3A_961, %max3A_965 : vector<8x128xf32>
      %min3A_982 = arith.minimumf %max3A_963, %max3A_967 : vector<8x128xf32>
      %max3A_983 = arith.maximumf %max3A_963, %max3A_967 : vector<8x128xf32>
      %min3A_984 = arith.minimumf %min3A_968, %min3A_970 : vector<8x128xf32>
      %max3A_985 = arith.maximumf %min3A_968, %min3A_970 : vector<8x128xf32>
      %min3A_986 = arith.minimumf %max3A_969, %max3A_971 : vector<8x128xf32>
      %max3A_987 = arith.maximumf %max3A_969, %max3A_971 : vector<8x128xf32>
      %min3A_988 = arith.minimumf %min3A_972, %min3A_974 : vector<8x128xf32>
      %max3A_989 = arith.maximumf %min3A_972, %min3A_974 : vector<8x128xf32>
      %min3A_990 = arith.minimumf %max3A_973, %max3A_975 : vector<8x128xf32>
      %max3A_991 = arith.maximumf %max3A_973, %max3A_975 : vector<8x128xf32>
      %min3A_992 = arith.minimumf %min3A_976, %min3A_978 : vector<8x128xf32>
      %max3A_993 = arith.maximumf %min3A_976, %min3A_978 : vector<8x128xf32>
      %min3A_994 = arith.minimumf %max3A_977, %max3A_979 : vector<8x128xf32>
      %max3A_995 = arith.maximumf %max3A_977, %max3A_979 : vector<8x128xf32>
      %min3A_996 = arith.minimumf %min3A_980, %min3A_982 : vector<8x128xf32>
      %max3A_997 = arith.maximumf %min3A_980, %min3A_982 : vector<8x128xf32>
      %min3A_998 = arith.minimumf %max3A_981, %max3A_983 : vector<8x128xf32>
      %max3A_999 = arith.maximumf %max3A_981, %max3A_983 : vector<8x128xf32>
      %mul3A_1000 = arith.constant 8 : i32
      %mul3A_1001 = arith.muli %scan3A_120, %mul3A_1000 : i32
      %get3A_1002 = arith.index_cast %mul3A_1001 : i32 to index
      %get3A_1003 = arith.constant 6144 : index
      %get3A_1004 = vector.load %arg6[%get3A_1002, %get3A_1003] : memref<256x8192xf32, #tpu.memory_space<vmem>>, vector<8x128xf32>
      %mul3A_1005 = arith.constant 8 : i32
      %mul3A_1006 = arith.muli %scan3A_120, %mul3A_1005 : i32
      %get3A_1007 = arith.index_cast %mul3A_1006 : i32 to index
      %get3A_1008 = arith.constant 6272 : index
      %get3A_1009 = vector.load %arg6[%get3A_1007, %get3A_1008] : memref<256x8192xf32, #tpu.memory_space<vmem>>, vector<8x128xf32>
      %mul3A_1010 = arith.constant 8 : i32
      %mul3A_1011 = arith.muli %scan3A_120, %mul3A_1010 : i32
      %get3A_1012 = arith.index_cast %mul3A_1011 : i32 to index
      %get3A_1013 = arith.constant 6400 : index
      %get3A_1014 = vector.load %arg6[%get3A_1012, %get3A_1013] : memref<256x8192xf32, #tpu.memory_space<vmem>>, vector<8x128xf32>
      %mul3A_1015 = arith.constant 8 : i32
      %mul3A_1016 = arith.muli %scan3A_120, %mul3A_1015 : i32
      %get3A_1017 = arith.index_cast %mul3A_1016 : i32 to index
      %get3A_1018 = arith.constant 6528 : index
      %get3A_1019 = vector.load %arg6[%get3A_1017, %get3A_1018] : memref<256x8192xf32, #tpu.memory_space<vmem>>, vector<8x128xf32>
      %mul3A_1020 = arith.constant 8 : i32
      %mul3A_1021 = arith.muli %scan3A_120, %mul3A_1020 : i32
      %get3A_1022 = arith.index_cast %mul3A_1021 : i32 to index
      %get3A_1023 = arith.constant 6656 : index
      %get3A_1024 = vector.load %arg6[%get3A_1022, %get3A_1023] : memref<256x8192xf32, #tpu.memory_space<vmem>>, vector<8x128xf32>
      %mul3A_1025 = arith.constant 8 : i32
      %mul3A_1026 = arith.muli %scan3A_120, %mul3A_1025 : i32
      %get3A_1027 = arith.index_cast %mul3A_1026 : i32 to index
      %get3A_1028 = arith.constant 6784 : index
      %get3A_1029 = vector.load %arg6[%get3A_1027, %get3A_1028] : memref<256x8192xf32, #tpu.memory_space<vmem>>, vector<8x128xf32>
      %mul3A_1030 = arith.constant 8 : i32
      %mul3A_1031 = arith.muli %scan3A_120, %mul3A_1030 : i32
      %get3A_1032 = arith.index_cast %mul3A_1031 : i32 to index
      %get3A_1033 = arith.constant 6912 : index
      %get3A_1034 = vector.load %arg6[%get3A_1032, %get3A_1033] : memref<256x8192xf32, #tpu.memory_space<vmem>>, vector<8x128xf32>
      %mul3A_1035 = arith.constant 8 : i32
      %mul3A_1036 = arith.muli %scan3A_120, %mul3A_1035 : i32
      %get3A_1037 = arith.index_cast %mul3A_1036 : i32 to index
      %get3A_1038 = arith.constant 7040 : index
      %get3A_1039 = vector.load %arg6[%get3A_1037, %get3A_1038] : memref<256x8192xf32, #tpu.memory_space<vmem>>, vector<8x128xf32>
      %mul3A_1040 = arith.constant 8 : i32
      %mul3A_1041 = arith.muli %scan3A_120, %mul3A_1040 : i32
      %get3A_1042 = arith.index_cast %mul3A_1041 : i32 to index
      %get3A_1043 = arith.constant 7168 : index
      %get3A_1044 = vector.load %arg6[%get3A_1042, %get3A_1043] : memref<256x8192xf32, #tpu.memory_space<vmem>>, vector<8x128xf32>
      %mul3A_1045 = arith.constant 8 : i32
      %mul3A_1046 = arith.muli %scan3A_120, %mul3A_1045 : i32
      %get3A_1047 = arith.index_cast %mul3A_1046 : i32 to index
      %get3A_1048 = arith.constant 7296 : index
      %get3A_1049 = vector.load %arg6[%get3A_1047, %get3A_1048] : memref<256x8192xf32, #tpu.memory_space<vmem>>, vector<8x128xf32>
      %mul3A_1050 = arith.constant 8 : i32
      %mul3A_1051 = arith.muli %scan3A_120, %mul3A_1050 : i32
      %get3A_1052 = arith.index_cast %mul3A_1051 : i32 to index
      %get3A_1053 = arith.constant 7424 : index
      %get3A_1054 = vector.load %arg6[%get3A_1052, %get3A_1053] : memref<256x8192xf32, #tpu.memory_space<vmem>>, vector<8x128xf32>
      %mul3A_1055 = arith.constant 8 : i32
      %mul3A_1056 = arith.muli %scan3A_120, %mul3A_1055 : i32
      %get3A_1057 = arith.index_cast %mul3A_1056 : i32 to index
      %get3A_1058 = arith.constant 7552 : index
      %get3A_1059 = vector.load %arg6[%get3A_1057, %get3A_1058] : memref<256x8192xf32, #tpu.memory_space<vmem>>, vector<8x128xf32>
      %mul3A_1060 = arith.constant 8 : i32
      %mul3A_1061 = arith.muli %scan3A_120, %mul3A_1060 : i32
      %get3A_1062 = arith.index_cast %mul3A_1061 : i32 to index
      %get3A_1063 = arith.constant 7680 : index
      %get3A_1064 = vector.load %arg6[%get3A_1062, %get3A_1063] : memref<256x8192xf32, #tpu.memory_space<vmem>>, vector<8x128xf32>
      %mul3A_1065 = arith.constant 8 : i32
      %mul3A_1066 = arith.muli %scan3A_120, %mul3A_1065 : i32
      %get3A_1067 = arith.index_cast %mul3A_1066 : i32 to index
      %get3A_1068 = arith.constant 7808 : index
      %get3A_1069 = vector.load %arg6[%get3A_1067, %get3A_1068] : memref<256x8192xf32, #tpu.memory_space<vmem>>, vector<8x128xf32>
      %mul3A_1070 = arith.constant 8 : i32
      %mul3A_1071 = arith.muli %scan3A_120, %mul3A_1070 : i32
      %get3A_1072 = arith.index_cast %mul3A_1071 : i32 to index
      %get3A_1073 = arith.constant 7936 : index
      %get3A_1074 = vector.load %arg6[%get3A_1072, %get3A_1073] : memref<256x8192xf32, #tpu.memory_space<vmem>>, vector<8x128xf32>
      %mul3A_1075 = arith.constant 8 : i32
      %mul3A_1076 = arith.muli %scan3A_120, %mul3A_1075 : i32
      %get3A_1077 = arith.index_cast %mul3A_1076 : i32 to index
      %get3A_1078 = arith.constant 8064 : index
      %get3A_1079 = vector.load %arg6[%get3A_1077, %get3A_1078] : memref<256x8192xf32, #tpu.memory_space<vmem>>, vector<8x128xf32>
      %min3A_1080 = arith.minimumf %get3A_1004, %get3A_1009 : vector<8x128xf32>
      %max3A_1081 = arith.maximumf %get3A_1004, %get3A_1009 : vector<8x128xf32>
      %min3A_1082 = arith.minimumf %get3A_1014, %get3A_1019 : vector<8x128xf32>
      %max3A_1083 = arith.maximumf %get3A_1014, %get3A_1019 : vector<8x128xf32>
      %min3A_1084 = arith.minimumf %get3A_1024, %get3A_1029 : vector<8x128xf32>
      %max3A_1085 = arith.maximumf %get3A_1024, %get3A_1029 : vector<8x128xf32>
      %min3A_1086 = arith.minimumf %get3A_1034, %get3A_1039 : vector<8x128xf32>
      %max3A_1087 = arith.maximumf %get3A_1034, %get3A_1039 : vector<8x128xf32>
      %min3A_1088 = arith.minimumf %get3A_1044, %get3A_1049 : vector<8x128xf32>
      %max3A_1089 = arith.maximumf %get3A_1044, %get3A_1049 : vector<8x128xf32>
      %min3A_1090 = arith.minimumf %get3A_1054, %get3A_1059 : vector<8x128xf32>
      %max3A_1091 = arith.maximumf %get3A_1054, %get3A_1059 : vector<8x128xf32>
      %min3A_1092 = arith.minimumf %get3A_1064, %get3A_1069 : vector<8x128xf32>
      %max3A_1093 = arith.maximumf %get3A_1064, %get3A_1069 : vector<8x128xf32>
      %min3A_1094 = arith.minimumf %get3A_1074, %get3A_1079 : vector<8x128xf32>
      %max3A_1095 = arith.maximumf %get3A_1074, %get3A_1079 : vector<8x128xf32>
      %min3A_1096 = arith.minimumf %min3A_1080, %max3A_1083 : vector<8x128xf32>
      %max3A_1097 = arith.maximumf %min3A_1080, %max3A_1083 : vector<8x128xf32>
      %min3A_1098 = arith.minimumf %max3A_1081, %min3A_1082 : vector<8x128xf32>
      %max3A_1099 = arith.maximumf %max3A_1081, %min3A_1082 : vector<8x128xf32>
      %min3A_1100 = arith.minimumf %min3A_1084, %max3A_1087 : vector<8x128xf32>
      %max3A_1101 = arith.maximumf %min3A_1084, %max3A_1087 : vector<8x128xf32>
      %min3A_1102 = arith.minimumf %max3A_1085, %min3A_1086 : vector<8x128xf32>
      %max3A_1103 = arith.maximumf %max3A_1085, %min3A_1086 : vector<8x128xf32>
      %min3A_1104 = arith.minimumf %min3A_1088, %max3A_1091 : vector<8x128xf32>
      %max3A_1105 = arith.maximumf %min3A_1088, %max3A_1091 : vector<8x128xf32>
      %min3A_1106 = arith.minimumf %max3A_1089, %min3A_1090 : vector<8x128xf32>
      %max3A_1107 = arith.maximumf %max3A_1089, %min3A_1090 : vector<8x128xf32>
      %min3A_1108 = arith.minimumf %min3A_1092, %max3A_1095 : vector<8x128xf32>
      %max3A_1109 = arith.maximumf %min3A_1092, %max3A_1095 : vector<8x128xf32>
      %min3A_1110 = arith.minimumf %max3A_1093, %min3A_1094 : vector<8x128xf32>
      %max3A_1111 = arith.maximumf %max3A_1093, %min3A_1094 : vector<8x128xf32>
      %min3A_1112 = arith.minimumf %min3A_1096, %min3A_1098 : vector<8x128xf32>
      %max3A_1113 = arith.maximumf %min3A_1096, %min3A_1098 : vector<8x128xf32>
      %min3A_1114 = arith.minimumf %max3A_1097, %max3A_1099 : vector<8x128xf32>
      %max3A_1115 = arith.maximumf %max3A_1097, %max3A_1099 : vector<8x128xf32>
      %min3A_1116 = arith.minimumf %max3A_1101, %max3A_1103 : vector<8x128xf32>
      %max3A_1117 = arith.maximumf %max3A_1101, %max3A_1103 : vector<8x128xf32>
      %min3A_1118 = arith.minimumf %min3A_1100, %min3A_1102 : vector<8x128xf32>
      %max3A_1119 = arith.maximumf %min3A_1100, %min3A_1102 : vector<8x128xf32>
      %min3A_1120 = arith.minimumf %min3A_1104, %min3A_1106 : vector<8x128xf32>
      %max3A_1121 = arith.maximumf %min3A_1104, %min3A_1106 : vector<8x128xf32>
      %min3A_1122 = arith.minimumf %max3A_1105, %max3A_1107 : vector<8x128xf32>
      %max3A_1123 = arith.maximumf %max3A_1105, %max3A_1107 : vector<8x128xf32>
      %min3A_1124 = arith.minimumf %max3A_1109, %max3A_1111 : vector<8x128xf32>
      %max3A_1125 = arith.maximumf %max3A_1109, %max3A_1111 : vector<8x128xf32>
      %min3A_1126 = arith.minimumf %min3A_1108, %min3A_1110 : vector<8x128xf32>
      %max3A_1127 = arith.maximumf %min3A_1108, %min3A_1110 : vector<8x128xf32>
      %min3A_1128 = arith.minimumf %min3A_1112, %max3A_1117 : vector<8x128xf32>
      %max3A_1129 = arith.maximumf %min3A_1112, %max3A_1117 : vector<8x128xf32>
      %min3A_1130 = arith.minimumf %max3A_1113, %min3A_1116 : vector<8x128xf32>
      %max3A_1131 = arith.maximumf %max3A_1113, %min3A_1116 : vector<8x128xf32>
      %min3A_1132 = arith.minimumf %min3A_1114, %max3A_1119 : vector<8x128xf32>
      %max3A_1133 = arith.maximumf %min3A_1114, %max3A_1119 : vector<8x128xf32>
      %min3A_1134 = arith.minimumf %max3A_1115, %min3A_1118 : vector<8x128xf32>
      %max3A_1135 = arith.maximumf %max3A_1115, %min3A_1118 : vector<8x128xf32>
      %min3A_1136 = arith.minimumf %min3A_1120, %max3A_1125 : vector<8x128xf32>
      %max3A_1137 = arith.maximumf %min3A_1120, %max3A_1125 : vector<8x128xf32>
      %min3A_1138 = arith.minimumf %max3A_1121, %min3A_1124 : vector<8x128xf32>
      %max3A_1139 = arith.maximumf %max3A_1121, %min3A_1124 : vector<8x128xf32>
      %min3A_1140 = arith.minimumf %min3A_1122, %max3A_1127 : vector<8x128xf32>
      %max3A_1141 = arith.maximumf %min3A_1122, %max3A_1127 : vector<8x128xf32>
      %min3A_1142 = arith.minimumf %max3A_1123, %min3A_1126 : vector<8x128xf32>
      %max3A_1143 = arith.maximumf %max3A_1123, %min3A_1126 : vector<8x128xf32>
      %min3A_1144 = arith.minimumf %min3A_1128, %min3A_1132 : vector<8x128xf32>
      %max3A_1145 = arith.maximumf %min3A_1128, %min3A_1132 : vector<8x128xf32>
      %min3A_1146 = arith.minimumf %min3A_1130, %min3A_1134 : vector<8x128xf32>
      %max3A_1147 = arith.maximumf %min3A_1130, %min3A_1134 : vector<8x128xf32>
      %min3A_1148 = arith.minimumf %max3A_1129, %max3A_1133 : vector<8x128xf32>
      %max3A_1149 = arith.maximumf %max3A_1129, %max3A_1133 : vector<8x128xf32>
      %min3A_1150 = arith.minimumf %max3A_1131, %max3A_1135 : vector<8x128xf32>
      %max3A_1151 = arith.maximumf %max3A_1131, %max3A_1135 : vector<8x128xf32>
      %min3A_1152 = arith.minimumf %max3A_1137, %max3A_1141 : vector<8x128xf32>
      %max3A_1153 = arith.maximumf %max3A_1137, %max3A_1141 : vector<8x128xf32>
      %min3A_1154 = arith.minimumf %max3A_1139, %max3A_1143 : vector<8x128xf32>
      %max3A_1155 = arith.maximumf %max3A_1139, %max3A_1143 : vector<8x128xf32>
      %min3A_1156 = arith.minimumf %min3A_1136, %min3A_1140 : vector<8x128xf32>
      %max3A_1157 = arith.maximumf %min3A_1136, %min3A_1140 : vector<8x128xf32>
      %min3A_1158 = arith.minimumf %min3A_1138, %min3A_1142 : vector<8x128xf32>
      %max3A_1159 = arith.maximumf %min3A_1138, %min3A_1142 : vector<8x128xf32>
      %min3A_1160 = arith.minimumf %min3A_1144, %min3A_1146 : vector<8x128xf32>
      %max3A_1161 = arith.maximumf %min3A_1144, %min3A_1146 : vector<8x128xf32>
      %min3A_1162 = arith.minimumf %max3A_1145, %max3A_1147 : vector<8x128xf32>
      %max3A_1163 = arith.maximumf %max3A_1145, %max3A_1147 : vector<8x128xf32>
      %min3A_1164 = arith.minimumf %min3A_1148, %min3A_1150 : vector<8x128xf32>
      %max3A_1165 = arith.maximumf %min3A_1148, %min3A_1150 : vector<8x128xf32>
      %min3A_1166 = arith.minimumf %max3A_1149, %max3A_1151 : vector<8x128xf32>
      %max3A_1167 = arith.maximumf %max3A_1149, %max3A_1151 : vector<8x128xf32>
      %min3A_1168 = arith.minimumf %max3A_1153, %max3A_1155 : vector<8x128xf32>
      %max3A_1169 = arith.maximumf %max3A_1153, %max3A_1155 : vector<8x128xf32>
      %min3A_1170 = arith.minimumf %min3A_1152, %min3A_1154 : vector<8x128xf32>
      %max3A_1171 = arith.maximumf %min3A_1152, %min3A_1154 : vector<8x128xf32>
      %min3A_1172 = arith.minimumf %max3A_1157, %max3A_1159 : vector<8x128xf32>
      %max3A_1173 = arith.maximumf %max3A_1157, %max3A_1159 : vector<8x128xf32>
      %min3A_1174 = arith.minimumf %min3A_1156, %min3A_1158 : vector<8x128xf32>
      %max3A_1175 = arith.maximumf %min3A_1156, %min3A_1158 : vector<8x128xf32>
      %min3A_1176 = arith.minimumf %min3A_1160, %max3A_1169 : vector<8x128xf32>
      %max3A_1177 = arith.maximumf %min3A_1160, %max3A_1169 : vector<8x128xf32>
      %min3A_1178 = arith.minimumf %max3A_1161, %min3A_1168 : vector<8x128xf32>
      %max3A_1179 = arith.maximumf %max3A_1161, %min3A_1168 : vector<8x128xf32>
      %min3A_1180 = arith.minimumf %min3A_1162, %max3A_1171 : vector<8x128xf32>
      %max3A_1181 = arith.maximumf %min3A_1162, %max3A_1171 : vector<8x128xf32>
      %min3A_1182 = arith.minimumf %max3A_1163, %min3A_1170 : vector<8x128xf32>
      %max3A_1183 = arith.maximumf %max3A_1163, %min3A_1170 : vector<8x128xf32>
      %min3A_1184 = arith.minimumf %min3A_1164, %max3A_1173 : vector<8x128xf32>
      %max3A_1185 = arith.maximumf %min3A_1164, %max3A_1173 : vector<8x128xf32>
      %min3A_1186 = arith.minimumf %max3A_1165, %min3A_1172 : vector<8x128xf32>
      %max3A_1187 = arith.maximumf %max3A_1165, %min3A_1172 : vector<8x128xf32>
      %min3A_1188 = arith.minimumf %min3A_1166, %max3A_1175 : vector<8x128xf32>
      %max3A_1189 = arith.maximumf %min3A_1166, %max3A_1175 : vector<8x128xf32>
      %min3A_1190 = arith.minimumf %max3A_1167, %min3A_1174 : vector<8x128xf32>
      %max3A_1191 = arith.maximumf %max3A_1167, %min3A_1174 : vector<8x128xf32>
      %min3A_1192 = arith.minimumf %min3A_1176, %min3A_1184 : vector<8x128xf32>
      %max3A_1193 = arith.maximumf %min3A_1176, %min3A_1184 : vector<8x128xf32>
      %min3A_1194 = arith.minimumf %min3A_1178, %min3A_1186 : vector<8x128xf32>
      %max3A_1195 = arith.maximumf %min3A_1178, %min3A_1186 : vector<8x128xf32>
      %min3A_1196 = arith.minimumf %min3A_1180, %min3A_1188 : vector<8x128xf32>
      %max3A_1197 = arith.maximumf %min3A_1180, %min3A_1188 : vector<8x128xf32>
      %min3A_1198 = arith.minimumf %min3A_1182, %min3A_1190 : vector<8x128xf32>
      %max3A_1199 = arith.maximumf %min3A_1182, %min3A_1190 : vector<8x128xf32>
      %min3A_1200 = arith.minimumf %max3A_1177, %max3A_1185 : vector<8x128xf32>
      %max3A_1201 = arith.maximumf %max3A_1177, %max3A_1185 : vector<8x128xf32>
      %min3A_1202 = arith.minimumf %max3A_1179, %max3A_1187 : vector<8x128xf32>
      %max3A_1203 = arith.maximumf %max3A_1179, %max3A_1187 : vector<8x128xf32>
      %min3A_1204 = arith.minimumf %max3A_1181, %max3A_1189 : vector<8x128xf32>
      %max3A_1205 = arith.maximumf %max3A_1181, %max3A_1189 : vector<8x128xf32>
      %min3A_1206 = arith.minimumf %max3A_1183, %max3A_1191 : vector<8x128xf32>
      %max3A_1207 = arith.maximumf %max3A_1183, %max3A_1191 : vector<8x128xf32>
      %min3A_1208 = arith.minimumf %min3A_1192, %min3A_1196 : vector<8x128xf32>
      %max3A_1209 = arith.maximumf %min3A_1192, %min3A_1196 : vector<8x128xf32>
      %min3A_1210 = arith.minimumf %min3A_1194, %min3A_1198 : vector<8x128xf32>
      %max3A_1211 = arith.maximumf %min3A_1194, %min3A_1198 : vector<8x128xf32>
      %min3A_1212 = arith.minimumf %max3A_1193, %max3A_1197 : vector<8x128xf32>
      %max3A_1213 = arith.maximumf %max3A_1193, %max3A_1197 : vector<8x128xf32>
      %min3A_1214 = arith.minimumf %max3A_1195, %max3A_1199 : vector<8x128xf32>
      %max3A_1215 = arith.maximumf %max3A_1195, %max3A_1199 : vector<8x128xf32>
      %min3A_1216 = arith.minimumf %min3A_1200, %min3A_1204 : vector<8x128xf32>
      %max3A_1217 = arith.maximumf %min3A_1200, %min3A_1204 : vector<8x128xf32>
      %min3A_1218 = arith.minimumf %min3A_1202, %min3A_1206 : vector<8x128xf32>
      %max3A_1219 = arith.maximumf %min3A_1202, %min3A_1206 : vector<8x128xf32>
      %min3A_1220 = arith.minimumf %max3A_1201, %max3A_1205 : vector<8x128xf32>
      %max3A_1221 = arith.maximumf %max3A_1201, %max3A_1205 : vector<8x128xf32>
      %min3A_1222 = arith.minimumf %max3A_1203, %max3A_1207 : vector<8x128xf32>
      %max3A_1223 = arith.maximumf %max3A_1203, %max3A_1207 : vector<8x128xf32>
      %min3A_1224 = arith.minimumf %min3A_1208, %min3A_1210 : vector<8x128xf32>
      %max3A_1225 = arith.maximumf %min3A_1208, %min3A_1210 : vector<8x128xf32>
      %min3A_1226 = arith.minimumf %max3A_1209, %max3A_1211 : vector<8x128xf32>
      %max3A_1227 = arith.maximumf %max3A_1209, %max3A_1211 : vector<8x128xf32>
      %min3A_1228 = arith.minimumf %min3A_1212, %min3A_1214 : vector<8x128xf32>
      %max3A_1229 = arith.maximumf %min3A_1212, %min3A_1214 : vector<8x128xf32>
      %min3A_1230 = arith.minimumf %max3A_1213, %max3A_1215 : vector<8x128xf32>
      %max3A_1231 = arith.maximumf %max3A_1213, %max3A_1215 : vector<8x128xf32>
      %min3A_1232 = arith.minimumf %min3A_1216, %min3A_1218 : vector<8x128xf32>
      %max3A_1233 = arith.maximumf %min3A_1216, %min3A_1218 : vector<8x128xf32>
      %min3A_1234 = arith.minimumf %max3A_1217, %max3A_1219 : vector<8x128xf32>
      %max3A_1235 = arith.maximumf %max3A_1217, %max3A_1219 : vector<8x128xf32>
      %min3A_1236 = arith.minimumf %min3A_1220, %min3A_1222 : vector<8x128xf32>
      %max3A_1237 = arith.maximumf %min3A_1220, %min3A_1222 : vector<8x128xf32>
      %min3A_1238 = arith.minimumf %max3A_1221, %max3A_1223 : vector<8x128xf32>
      %max3A_1239 = arith.maximumf %max3A_1221, %max3A_1223 : vector<8x128xf32>
      %min3A_1240 = arith.minimumf %min3A_984, %max3A_1239 : vector<8x128xf32>
      %min3A_1241 = arith.minimumf %max3A_985, %min3A_1238 : vector<8x128xf32>
      %min3A_1242 = arith.minimumf %min3A_986, %max3A_1237 : vector<8x128xf32>
      %min3A_1243 = arith.minimumf %max3A_987, %min3A_1236 : vector<8x128xf32>
      %min3A_1244 = arith.minimumf %min3A_988, %max3A_1235 : vector<8x128xf32>
      %min3A_1245 = arith.minimumf %max3A_989, %min3A_1234 : vector<8x128xf32>
      %min3A_1246 = arith.minimumf %min3A_990, %max3A_1233 : vector<8x128xf32>
      %min3A_1247 = arith.minimumf %max3A_991, %min3A_1232 : vector<8x128xf32>
      %min3A_1248 = arith.minimumf %min3A_992, %max3A_1231 : vector<8x128xf32>
      %min3A_1249 = arith.minimumf %max3A_993, %min3A_1230 : vector<8x128xf32>
      %min3A_1250 = arith.minimumf %min3A_994, %max3A_1229 : vector<8x128xf32>
      %min3A_1251 = arith.minimumf %max3A_995, %min3A_1228 : vector<8x128xf32>
      %min3A_1252 = arith.minimumf %min3A_996, %max3A_1227 : vector<8x128xf32>
      %min3A_1253 = arith.minimumf %max3A_997, %min3A_1226 : vector<8x128xf32>
      %min3A_1254 = arith.minimumf %min3A_998, %max3A_1225 : vector<8x128xf32>
      %min3A_1255 = arith.minimumf %max3A_999, %min3A_1224 : vector<8x128xf32>
      %mul3A_1256 = arith.constant 8 : i32
      %mul3A_1257 = arith.muli %scan3A_120, %mul3A_1256 : i32
      %swap3A_1258 = arith.index_cast %mul3A_1257 : i32 to index
      %swap3A_1259 = arith.constant 0 : index
      %swap3A_1260 = vector.load %arg7[%swap3A_1258, %swap3A_1259] : memref<256x2048xf32, #tpu.memory_space<vmem>>, vector<8x128xf32>
      tpu.vector_store %arg7[%swap3A_1258, %swap3A_1259], %min3A_1240 {strides = array<i32>} : memref<256x2048xf32, #tpu.memory_space<vmem>>, vector<8x128xf32>,
      %mul3A_1261 = arith.constant 8 : i32
      %mul3A_1262 = arith.muli %scan3A_120, %mul3A_1261 : i32
      %swap3A_1263 = arith.index_cast %mul3A_1262 : i32 to index
      %swap3A_1264 = arith.constant 128 : index
      %swap3A_1265 = vector.load %arg7[%swap3A_1263, %swap3A_1264] : memref<256x2048xf32, #tpu.memory_space<vmem>>, vector<8x128xf32>
      tpu.vector_store %arg7[%swap3A_1263, %swap3A_1264], %min3A_1241 {strides = array<i32>} : memref<256x2048xf32, #tpu.memory_space<vmem>>, vector<8x128xf32>,
      %mul3A_1266 = arith.constant 8 : i32
      %mul3A_1267 = arith.muli %scan3A_120, %mul3A_1266 : i32
      %swap3A_1268 = arith.index_cast %mul3A_1267 : i32 to index
      %swap3A_1269 = arith.constant 256 : index
      %swap3A_1270 = vector.load %arg7[%swap3A_1268, %swap3A_1269] : memref<256x2048xf32, #tpu.memory_space<vmem>>, vector<8x128xf32>
      tpu.vector_store %arg7[%swap3A_1268, %swap3A_1269], %min3A_1242 {strides = array<i32>} : memref<256x2048xf32, #tpu.memory_space<vmem>>, vector<8x128xf32>,
      %mul3A_1271 = arith.constant 8 : i32
      %mul3A_1272 = arith.muli %scan3A_120, %mul3A_1271 : i32
      %swap3A_1273 = arith.index_cast %mul3A_1272 : i32 to index
      %swap3A_1274 = arith.constant 384 : index
      %swap3A_1275 = vector.load %arg7[%swap3A_1273, %swap3A_1274] : memref<256x2048xf32, #tpu.memory_space<vmem>>, vector<8x128xf32>
      tpu.vector_store %arg7[%swap3A_1273, %swap3A_1274], %min3A_1243 {strides = array<i32>} : memref<256x2048xf32, #tpu.memory_space<vmem>>, vector<8x128xf32>,
      %mul3A_1276 = arith.constant 8 : i32
      %mul3A_1277 = arith.muli %scan3A_120, %mul3A_1276 : i32
      %swap3A_1278 = arith.index_cast %mul3A_1277 : i32 to index
      %swap3A_1279 = arith.constant 512 : index
      %swap3A_1280 = vector.load %arg7[%swap3A_1278, %swap3A_1279] : memref<256x2048xf32, #tpu.memory_space<vmem>>, vector<8x128xf32>
      tpu.vector_store %arg7[%swap3A_1278, %swap3A_1279], %min3A_1244 {strides = array<i32>} : memref<256x2048xf32, #tpu.memory_space<vmem>>, vector<8x128xf32>,
      %mul3A_1281 = arith.constant 8 : i32
      %mul3A_1282 = arith.muli %scan3A_120, %mul3A_1281 : i32
      %swap3A_1283 = arith.index_cast %mul3A_1282 : i32 to index
      %swap3A_1284 = arith.constant 640 : index
      %swap3A_1285 = vector.load %arg7[%swap3A_1283, %swap3A_1284] : memref<256x2048xf32, #tpu.memory_space<vmem>>, vector<8x128xf32>
      tpu.vector_store %arg7[%swap3A_1283, %swap3A_1284], %min3A_1245 {strides = array<i32>} : memref<256x2048xf32, #tpu.memory_space<vmem>>, vector<8x128xf32>,
      %mul3A_1286 = arith.constant 8 : i32
      %mul3A_1287 = arith.muli %scan3A_120, %mul3A_1286 : i32
      %swap3A_1288 = arith.index_cast %mul3A_1287 : i32 to index
      %swap3A_1289 = arith.constant 768 : index
      %swap3A_1290 = vector.load %arg7[%swap3A_1288, %swap3A_1289] : memref<256x2048xf32, #tpu.memory_space<vmem>>, vector<8x128xf32>
      tpu.vector_store %arg7[%swap3A_1288, %swap3A_1289], %min3A_1246 {strides = array<i32>} : memref<256x2048xf32, #tpu.memory_space<vmem>>, vector<8x128xf32>,
      %mul3A_1291 = arith.constant 8 : i32
      %mul3A_1292 = arith.muli %scan3A_120, %mul3A_1291 : i32
      %swap3A_1293 = arith.index_cast %mul3A_1292 : i32 to index
      %swap3A_1294 = arith.constant 896 : index
      %swap3A_1295 = vector.load %arg7[%swap3A_1293, %swap3A_1294] : memref<256x2048xf32, #tpu.memory_space<vmem>>, vector<8x128xf32>
      tpu.vector_store %arg7[%swap3A_1293, %swap3A_1294], %min3A_1247 {strides = array<i32>} : memref<256x2048xf32, #tpu.memory_space<vmem>>, vector<8x128xf32>,
      %mul3A_1296 = arith.constant 8 : i32
      %mul3A_1297 = arith.muli %scan3A_120, %mul3A_1296 : i32
      %swap3A_1298 = arith.index_cast %mul3A_1297 : i32 to index
      %swap3A_1299 = arith.constant 1024 : index
      %swap3A_1300 = vector.load %arg7[%swap3A_1298, %swap3A_1299] : memref<256x2048xf32, #tpu.memory_space<vmem>>, vector<8x128xf32>
      tpu.vector_store %arg7[%swap3A_1298, %swap3A_1299], %min3A_1248 {strides = array<i32>} : memref<256x2048xf32, #tpu.memory_space<vmem>>, vector<8x128xf32>,
      %mul3A_1301 = arith.constant 8 : i32
      %mul3A_1302 = arith.muli %scan3A_120, %mul3A_1301 : i32
      %swap3A_1303 = arith.index_cast %mul3A_1302 : i32 to index
      %swap3A_1304 = arith.constant 1152 : index
      %swap3A_1305 = vector.load %arg7[%swap3A_1303, %swap3A_1304] : memref<256x2048xf32, #tpu.memory_space<vmem>>, vector<8x128xf32>
      tpu.vector_store %arg7[%swap3A_1303, %swap3A_1304], %min3A_1249 {strides = array<i32>} : memref<256x2048xf32, #tpu.memory_space<vmem>>, vector<8x128xf32>,
      %mul3A_1306 = arith.constant 8 : i32
      %mul3A_1307 = arith.muli %scan3A_120, %mul3A_1306 : i32
      %swap3A_1308 = arith.index_cast %mul3A_1307 : i32 to index
      %swap3A_1309 = arith.constant 1280 : index
      %swap3A_1310 = vector.load %arg7[%swap3A_1308, %swap3A_1309] : memref<256x2048xf32, #tpu.memory_space<vmem>>, vector<8x128xf32>
      tpu.vector_store %arg7[%swap3A_1308, %swap3A_1309], %min3A_1250 {strides = array<i32>} : memref<256x2048xf32, #tpu.memory_space<vmem>>, vector<8x128xf32>,
      %mul3A_1311 = arith.constant 8 : i32
      %mul3A_1312 = arith.muli %scan3A_120, %mul3A_1311 : i32
      %swap3A_1313 = arith.index_cast %mul3A_1312 : i32 to index
      %swap3A_1314 = arith.constant 1408 : index
      %swap3A_1315 = vector.load %arg7[%swap3A_1313, %swap3A_1314] : memref<256x2048xf32, #tpu.memory_space<vmem>>, vector<8x128xf32>
      tpu.vector_store %arg7[%swap3A_1313, %swap3A_1314], %min3A_1251 {strides = array<i32>} : memref<256x2048xf32, #tpu.memory_space<vmem>>, vector<8x128xf32>,
      %mul3A_1316 = arith.constant 8 : i32
      %mul3A_1317 = arith.muli %scan3A_120, %mul3A_1316 : i32
      %swap3A_1318 = arith.index_cast %mul3A_1317 : i32 to index
      %swap3A_1319 = arith.constant 1536 : index
      %swap3A_1320 = vector.load %arg7[%swap3A_1318, %swap3A_1319] : memref<256x2048xf32, #tpu.memory_space<vmem>>, vector<8x128xf32>
      tpu.vector_store %arg7[%swap3A_1318, %swap3A_1319], %min3A_1252 {strides = array<i32>} : memref<256x2048xf32, #tpu.memory_space<vmem>>, vector<8x128xf32>,
      %mul3A_1321 = arith.constant 8 : i32
      %mul3A_1322 = arith.muli %scan3A_120, %mul3A_1321 : i32
      %swap3A_1323 = arith.index_cast %mul3A_1322 : i32 to index
      %swap3A_1324 = arith.constant 1664 : index
      %swap3A_1325 = vector.load %arg7[%swap3A_1323, %swap3A_1324] : memref<256x2048xf32, #tpu.memory_space<vmem>>, vector<8x128xf32>
      tpu.vector_store %arg7[%swap3A_1323, %swap3A_1324], %min3A_1253 {strides = array<i32>} : memref<256x2048xf32, #tpu.memory_space<vmem>>, vector<8x128xf32>,
      %mul3A_1326 = arith.constant 8 : i32
      %mul3A_1327 = arith.muli %scan3A_120, %mul3A_1326 : i32
      %swap3A_1328 = arith.index_cast %mul3A_1327 : i32 to index
      %swap3A_1329 = arith.constant 1792 : index
      %swap3A_1330 = vector.load %arg7[%swap3A_1328, %swap3A_1329] : memref<256x2048xf32, #tpu.memory_space<vmem>>, vector<8x128xf32>
      tpu.vector_store %arg7[%swap3A_1328, %swap3A_1329], %min3A_1254 {strides = array<i32>} : memref<256x2048xf32, #tpu.memory_space<vmem>>, vector<8x128xf32>,
      %mul3A_1331 = arith.constant 8 : i32
      %mul3A_1332 = arith.muli %scan3A_120, %mul3A_1331 : i32
      %swap3A_1333 = arith.index_cast %mul3A_1332 : i32 to index
      %swap3A_1334 = arith.constant 1920 : index
      %swap3A_1335 = vector.load %arg7[%swap3A_1333, %swap3A_1334] : memref<256x2048xf32, #tpu.memory_space<vmem>>, vector<8x128xf32>
      tpu.vector_store %arg7[%swap3A_1333, %swap3A_1334], %min3A_1255 {strides = array<i32>} : memref<256x2048xf32, #tpu.memory_space<vmem>>, vector<8x128xf32>,
    }
    %scan3A_52 = arith.constant 32 : i32
    %iota3A_53 = tpu.iota {dimensions = array<i32: 1>} : vector<256x2048xi32>
    %broadcast_in_dim3A_54 = arith.constant 0.000000e+00 : f32
    %broadcast_in_dim3A_55 = vector.broadcast %broadcast_in_dim3A_54 : f32 to vector<256x1xf32>
    %scan3A_56 = arith.constant 0 : i32
    %scan3A_57 = arith.constant 15 : i32
    %scan3A_58 = arith.addi %scan3A_56, %scan3A_57 : i32
    %scan3A_59 = arith.constant 1 : i32
    %scan3A_60:2 = scf.for %scan3A_120 = %scan3A_56 to %scan3A_58 step %scan3A_59 iter_args(%scan3A_121 = %broadcast_in_dim3A_55, %scan3A_122 = %broadcast_in_dim3A_55) -> (vector<256x1xf32>, vector<256x1xf32>)  : i32 {
      %get3A_123 = arith.constant 0 : index
      %get3A_124 = arith.constant 0 : index
      %get3A_125 = vector.load %arg7[%get3A_123, %get3A_124] : memref<256x2048xf32, #tpu.memory_space<vmem>>, vector<256x2048xf32>
      %reduce_min3A_126 = arith.constant dense<0x7F800000> : vector<256xf32>
      %reduce_min3A_127 = vector.multi_reduction <minimumf>, %get3A_125, %reduce_min3A_126 [1] : vector<256x2048xf32> to vector<256xf32>
      %broadcast_in_dim3A_128 = vector.shape_cast %reduce_min3A_127 : vector<256xf32> to vector<256x1xf32>
      %eq3A_129 = vector.broadcast %broadcast_in_dim3A_128 : vector<256x1xf32> to vector<256x2048xf32>
      %eq3A_130 = arith.cmpf oeq, %get3A_125, %eq3A_129 : vector<256x2048xf32>
      %jit3A_131 = arith.constant 2048 : i32
      %broadcast_in_dim3A_132 = vector.broadcast %jit3A_131 : i32 to vector<256x2048xi32>
      %select_n3A_133 = arith.select %eq3A_130, %iota3A_53, %broadcast_in_dim3A_132 : vector<256x2048xi1>, vector<256x2048xi32>
      %reduce_min3A_134 = arith.constant dense<2147483647> : vector<256xi32>
      %reduce_min3A_135 = vector.multi_reduction <minsi>, %select_n3A_133, %reduce_min3A_134 [1] : vector<256x2048xi32> to vector<256xi32>
      %broadcast_in_dim3A_136 = vector.shape_cast %reduce_min3A_135 : vector<256xi32> to vector<256x1xi32>
      %eq3A_137 = vector.broadcast %broadcast_in_dim3A_136 : vector<256x1xi32> to vector<256x2048xi32>
      %eq3A_138 = arith.cmpi eq, %iota3A_53, %eq3A_137 : vector<256x2048xi32>
      %jit3A_139 = arith.constant 3.000000e+38 : f32
      %broadcast_in_dim3A_140 = vector.broadcast %jit3A_139 : f32 to vector<256x2048xf32>
      %select_n3A_141 = arith.select %eq3A_138, %broadcast_in_dim3A_140, %get3A_125 : vector<256x2048xi1>, vector<256x2048xf32>
      %swap3A_142 = arith.constant 0 : index
      %swap3A_143 = arith.constant 0 : index
      %swap3A_144 = vector.load %arg7[%swap3A_142, %swap3A_143] : memref<256x2048xf32, #tpu.memory_space<vmem>>, vector<256x2048xf32>
      tpu.vector_store %arg7[%swap3A_142, %swap3A_143], %select_n3A_141 {strides = array<i32>} : memref<256x2048xf32, #tpu.memory_space<vmem>>, vector<256x2048xf32>,
      %bitcast_convert_type3A_145 = tpu.bitcast %broadcast_in_dim3A_128 : vector<256x1xf32> -> vector<256x1xi32>
      %and3A_146 = arith.constant 1 : i32
      %and3A_147 = vector.broadcast %and3A_146 : i32 to vector<256x1xi32>
      %and3A_148 = arith.andi %bitcast_convert_type3A_145, %and3A_147 : vector<256x1xi32>
      %add3A_149 = arith.constant 9.99999996E-13 : f32
      %add3A_150 = vector.broadcast %add3A_149 : f32 to vector<256x1xf32>
      %add3A_151 = arith.addf %broadcast_in_dim3A_128, %add3A_150 : vector<256x1xf32>
      %sqrt3A_152 = math.sqrt %add3A_151 : vector<256x1xf32>
      %le3A_153 = arith.constant 1.000000e+02 : f32
      %le3A_154 = vector.broadcast %le3A_153 : f32 to vector<256x1xf32>
      %le3A_155 = arith.cmpf ole, %sqrt3A_152, %le3A_154 : vector<256x1xf32>
      %jit3A_156 = arith.constant 1.000000e+00 : f32
      %jit3A_157 = arith.constant 0.000000e+00 : f32
      %broadcast_in_dim3A_158 = vector.broadcast %jit3A_156 : f32 to vector<256x1xf32>
      %broadcast_in_dim3A_159 = vector.broadcast %jit3A_157 : f32 to vector<256x1xf32>
      %select_n3A_160 = arith.select %le3A_155, %broadcast_in_dim3A_158, %broadcast_in_dim3A_159 : vector<256x1xi1>, vector<256x1xf32>
      %eq3A_161 = arith.constant 1 : i32
      %eq3A_162 = vector.broadcast %eq3A_161 : i32 to vector<256x1xi32>
      %eq3A_163 = arith.cmpi eq, %and3A_148, %eq3A_162 : vector<256x1xi32>
      %sub3A_164 = arith.constant 1.000000e+00 : f32
      %sub3A_165 = vector.broadcast %sub3A_164 : f32 to vector<256x1xf32>
      %sub3A_166 = arith.subf %sub3A_165, %sqrt3A_152 : vector<256x1xf32>
      %max3A_167 = arith.constant 0.000000e+00 : f32
      %max3A_168 = vector.broadcast %max3A_167 : f32 to vector<256x1xf32>
      %max3A_169 = arith.maximumf %max3A_168, %sub3A_166 : vector<256x1xf32>
      %select_n3A_170 = arith.select %eq3A_163, %sqrt3A_152, %max3A_169 : vector<256x1xi1>, vector<256x1xf32>
      %mul3A_171 = arith.mulf %select_n3A_170, %select_n3A_160 : vector<256x1xf32>
      %add3A_172 = arith.addf %scan3A_121, %mul3A_171 : vector<256x1xf32>
      %add3A_173 = arith.addf %scan3A_122, %select_n3A_160 : vector<256x1xf32>
      scf.yield %add3A_172, %add3A_173 : vector<256x1xf32>, vector<256x1xf32>
    }
    %get3A_61 = arith.constant 0 : index
    %get3A_62 = arith.constant 0 : index
    %get3A_63 = vector.load %arg7[%get3A_61, %get3A_62] : memref<256x2048xf32, #tpu.memory_space<vmem>>, vector<256x2048xf32>
    %reduce_min3A = arith.constant dense<0x7F800000> : vector<256xf32>
    %reduce_min3A_64 = vector.multi_reduction <minimumf>, %get3A_63, %reduce_min3A [1] : vector<256x2048xf32> to vector<256xf32>
    %broadcast_in_dim3A_65 = vector.shape_cast %reduce_min3A_64 : vector<256xf32> to vector<256x1xf32>
    %bitcast_convert_type3A_66 = tpu.bitcast %broadcast_in_dim3A_65 : vector<256x1xf32> -> vector<256x1xi32>
    %and3A_67 = arith.constant 1 : i32
    %and3A_68 = vector.broadcast %and3A_67 : i32 to vector<256x1xi32>
    %and3A_69 = arith.andi %bitcast_convert_type3A_66, %and3A_68 : vector<256x1xi32>
    %add3A_70 = arith.constant 9.99999996E-13 : f32
    %add3A_71 = vector.broadcast %add3A_70 : f32 to vector<256x1xf32>
    %add3A_72 = arith.addf %broadcast_in_dim3A_65, %add3A_71 : vector<256x1xf32>
    %sqrt3A = math.sqrt %add3A_72 : vector<256x1xf32>
    %le3A = arith.constant 1.000000e+02 : f32
    %le3A_73 = vector.broadcast %le3A : f32 to vector<256x1xf32>
    %le3A_74 = arith.cmpf ole, %sqrt3A, %le3A_73 : vector<256x1xf32>
    %jit3A_75 = arith.constant 1.000000e+00 : f32
    %jit3A_76 = arith.constant 0.000000e+00 : f32
    %broadcast_in_dim3A_77 = vector.broadcast %jit3A_75 : f32 to vector<256x1xf32>
    %broadcast_in_dim3A_78 = vector.broadcast %jit3A_76 : f32 to vector<256x1xf32>
    %select_n3A_79 = arith.select %le3A_74, %broadcast_in_dim3A_77, %broadcast_in_dim3A_78 : vector<256x1xi1>, vector<256x1xf32>
    %eq3A_80 = arith.constant 1 : i32
    %eq3A_81 = vector.broadcast %eq3A_80 : i32 to vector<256x1xi32>
    %eq3A_82 = arith.cmpi eq, %and3A_69, %eq3A_81 : vector<256x1xi32>
    %sub3A_83 = arith.constant 1.000000e+00 : f32
    %sub3A_84 = vector.broadcast %sub3A_83 : f32 to vector<256x1xf32>
    %sub3A_85 = arith.subf %sub3A_84, %sqrt3A : vector<256x1xf32>
    %max3A_86 = arith.constant 0.000000e+00 : f32
    %max3A_87 = vector.broadcast %max3A_86 : f32 to vector<256x1xf32>
    %max3A_88 = arith.maximumf %max3A_87, %sub3A_85 : vector<256x1xf32>
    %select_n3A_89 = arith.select %eq3A_82, %sqrt3A, %max3A_88 : vector<256x1xi1>, vector<256x1xf32>
    %mul3A_90 = arith.mulf %select_n3A_89, %select_n3A_79 : vector<256x1xf32>
    %add3A_91 = arith.addf %scan3A_60#0, %mul3A_90 : vector<256x1xf32>
    %add3A_92 = arith.addf %scan3A_60#1, %select_n3A_79 : vector<256x1xf32>
    %iota3A_93 = tpu.iota {dimensions = array<i32: 2>} : vector<1x1x128xi32>
    %eq3A_94 = arith.constant 0 : i32
    %eq3A_95 = vector.broadcast %eq3A_94 : i32 to vector<1x1x128xi32>
    %eq3A_96 = arith.cmpi eq, %iota3A_93, %eq3A_95 : vector<1x1x128xi32>
    %reduce_sum3A_97 = vector.shape_cast %add3A_91 : vector<256x1xf32> to vector<1x256x1xf32>
    %reduce_sum3A_98 = arith.constant dense<0.000000e+00> : vector<1xf32>
    %reduce_sum3A_99 = vector.multi_reduction <add>, %reduce_sum3A_97, %reduce_sum3A_98 [1, 2] : vector<1x256x1xf32> to vector<1xf32>
    %reduce_sum3A_100 = vector.shape_cast %reduce_sum3A_99 : vector<1xf32> to vector<1x1x1xf32>
    %reduce_sum3A_101 = vector.extract %reduce_sum3A_100[0, 0, 0] : f32 from vector<1x1x1xf32>
    %eq3A_102 = arith.constant 1 : i32
    %eq3A_103 = vector.broadcast %eq3A_102 : i32 to vector<1x1x128xi32>
    %eq3A_104 = arith.cmpi eq, %iota3A_93, %eq3A_103 : vector<1x1x128xi32>
    %reduce_sum3A_105 = vector.shape_cast %add3A_92 : vector<256x1xf32> to vector<1x256x1xf32>
    %reduce_sum3A_106 = arith.constant dense<0.000000e+00> : vector<1xf32>
    %reduce_sum3A_107 = vector.multi_reduction <add>, %reduce_sum3A_105, %reduce_sum3A_106 [1, 2] : vector<1x256x1xf32> to vector<1xf32>
    %reduce_sum3A_108 = vector.shape_cast %reduce_sum3A_107 : vector<1xf32> to vector<1x1x1xf32>
    %reduce_sum3A_109 = vector.extract %reduce_sum3A_108[0, 0, 0] : f32 from vector<1x1x1xf32>
    %jit3A_110 = arith.constant 0.000000e+00 : f32
    %broadcast_in_dim3A_111 = vector.broadcast %reduce_sum3A_109 : f32 to vector<1x1x128xf32>
    %broadcast_in_dim3A_112 = vector.broadcast %jit3A_110 : f32 to vector<1x1x128xf32>
    %select_n3A_113 = arith.select %eq3A_104, %broadcast_in_dim3A_111, %broadcast_in_dim3A_112 : vector<1x1x128xi1>, vector<1x1x128xf32>
    %broadcast_in_dim3A_114 = vector.broadcast %reduce_sum3A_101 : f32 to vector<1x1x128xf32>
    %select_n3A_115 = arith.select %eq3A_96, %broadcast_in_dim3A_114, %select_n3A_113 : vector<1x1x128xi1>, vector<1x1x128xf32>
    %swap3A_116 = arith.constant 0 : index
    %swap3A_117 = arith.constant 0 : index
    %swap3A_118 = arith.constant 0 : index
    %swap3A_119 = vector.load %arg5[%swap3A_116, %swap3A_117, %swap3A_118] : memref<1x1x128xf32, #tpu.memory_space<vmem>>, vector<1x1x128xf32>
    tpu.vector_store %arg5[%swap3A_116, %swap3A_117, %swap3A_118], %select_n3A_115 {strides = array<i32>} : memref<1x1x128xf32, #tpu.memory_space<vmem>>, vector<1x1x128xf32>,
    return
  }
  func.func @transform_0(%arg0: i32) -> (i32, i32) {
    %c0_i32 = arith.constant 0 : i32
    %c0_i32_0 = arith.constant 0 : i32
    return %arg0, %c0_i32 : i32, i32
  }
  func.func @transform_1(%arg0: i32) -> (i32, i32) {
    %c0_i32 = arith.constant 0 : i32
    %c0_i32_0 = arith.constant 0 : i32
    %c0_i32_1 = arith.constant 0 : i32
    return %c0_i32, %c0_i32_0 : i32, i32
  }
  func.func @transform_2(%arg0: i32) -> (i32, i32) {
    %c0_i32 = arith.constant 0 : i32
    %c0_i32_0 = arith.constant 0 : i32
    return %arg0, %c0_i32 : i32, i32
  }
  func.func @transform_3(%arg0: i32) -> (i32, i32) {
    %c0_i32 = arith.constant 0 : i32
    %c0_i32_0 = arith.constant 0 : i32
    %c0_i32_1 = arith.constant 0 : i32
    return %c0_i32, %c0_i32_0 : i32, i32
  }
  func.func @transform_4(%arg0: i32) -> (i32, i32, i32) {
    %c0_i32 = arith.constant 0 : i32
    %c0_i32_0 = arith.constant 0 : i32
    %c0_i32_1 = arith.constant 0 : i32
    return %arg0, %c0_i32, %c0_i32_0 : i32, i32, i32
  }
}

module attributes {stable_mosaic.version = 14 : i64} {
  func.func @_edge_body(%arg0: i32, %arg1: memref<4096x128xf32, #tpu.memory_space<vmem>>, %arg2: memref<4096x128xf32, #tpu.memory_space<vmem>>, %arg3: memref<4096x1xf32, #tpu.memory_space<vmem>>, %arg4: memref<8192x1xf32, #tpu.memory_space<vmem>>, %arg5: memref<8192x1xi32, #tpu.memory_space<vmem>>, %arg6: memref<1x1x128xf32, #tpu.memory_space<vmem>>) attributes {dimension_semantics = [#tpu.dimension_semantics<arbitrary>], iteration_bounds = array<i64: 24>, scalar_prefetch = 0 : i64, scratch_operands = 0 : i64, tpu.core_type = #tpu.core_type<tc>, window_params = [{transform_indices = @transform_0, window_bounds = array<i64: 4096, 128>}, {transform_indices = @transform_1, window_bounds = array<i64: 4096, 128>}, {transform_indices = @transform_2, window_bounds = array<i64: 4096, 1>}, {pipeline_mode = #tpu.pipeline_mode<synchronous>, transform_indices = @transform_3, window_bounds = array<i64: 8192, 1>}, {pipeline_mode = #tpu.pipeline_mode<synchronous>, transform_indices = @transform_4, window_bounds = array<i64: 8192, 1>}, {transform_indices = @transform_5, window_bounds = array<i64: 1, 1, 128>}]} {
    %get3A = arith.constant 0 : index
    %get3A_0 = arith.constant 0 : index
    %get3A_1 = vector.load %arg1[%get3A, %get3A_0] : memref<4096x128xf32, #tpu.memory_space<vmem>>, vector<4096x128xf32>
    %get3A_2 = arith.constant 0 : index
    %get3A_3 = arith.constant 0 : index
    %get3A_4 = vector.load %arg2[%get3A_2, %get3A_3] : memref<4096x128xf32, #tpu.memory_space<vmem>>, vector<4096x128xf32>
    %iota3A = tpu.iota {dimensions = array<i32: 1>} : vector<4096x128xi32>
    %lt3A = arith.constant 64 : i32
    %lt3A_5 = vector.broadcast %lt3A : i32 to vector<4096x128xi32>
    %lt3A_6 = arith.cmpi slt, %iota3A, %lt3A_5 : vector<4096x128xi32>
    %sub3A = arith.subf %get3A_1, %get3A_4 : vector<4096x128xf32>
    %jit3A = arith.constant 0.000000e+00 : f32
    %broadcast_in_dim3A = vector.broadcast %jit3A : f32 to vector<4096x128xf32>
    %select_n3A = arith.select %lt3A_6, %sub3A, %broadcast_in_dim3A : vector<4096x128xi1>, vector<4096x128xf32>
    %mul3A = arith.mulf %select_n3A, %select_n3A : vector<4096x128xf32>
    %reduce_sum3A = arith.constant dense<0.000000e+00> : vector<4096xf32>
    %reduce_sum3A_7 = vector.multi_reduction <add>, %mul3A, %reduce_sum3A [1] : vector<4096x128xf32> to vector<4096xf32>
    %broadcast_in_dim3A_8 = vector.shape_cast %reduce_sum3A_7 : vector<4096xf32> to vector<4096x1xf32>
    %add3A = arith.constant 9.99999996E-13 : f32
    %add3A_9 = vector.broadcast %add3A : f32 to vector<4096x1xf32>
    %add3A_10 = arith.addf %broadcast_in_dim3A_8, %add3A_9 : vector<4096x1xf32>
    %sqrt3A = math.sqrt %add3A_10 : vector<4096x1xf32>
    %slice3A = vector.extract_strided_slice %get3A_1 {offsets = [0, 64], sizes = [4096, 1], strides = [1, 1]} : vector<4096x128xf32> to vector<4096x1xf32>
    %bitcast_convert_type3A = tpu.bitcast %slice3A : vector<4096x1xf32> -> vector<4096x1xi32>
    %slice3A_11 = vector.extract_strided_slice %get3A_4 {offsets = [0, 64], sizes = [4096, 1], strides = [1, 1]} : vector<4096x128xf32> to vector<4096x1xf32>
    %bitcast_convert_type3A_12 = tpu.bitcast %slice3A_11 : vector<4096x1xf32> -> vector<4096x1xi32>
    %eq3A = arith.cmpi eq, %bitcast_convert_type3A, %bitcast_convert_type3A_12 : vector<4096x1xi32>
    %ne3A = arith.constant 0 : i32
    %ne3A_13 = vector.broadcast %ne3A : i32 to vector<4096x1xi32>
    %ne3A_14 = arith.cmpi ne, %bitcast_convert_type3A, %ne3A_13 : vector<4096x1xi32>
    %and3A = arith.andi %eq3A, %ne3A_14 : vector<4096x1xi1>
    %sub3A_15 = arith.constant 1.000000e+00 : f32
    %sub3A_16 = vector.broadcast %sub3A_15 : f32 to vector<4096x1xf32>
    %sub3A_17 = arith.subf %sub3A_16, %sqrt3A : vector<4096x1xf32>
    %max3A = arith.constant 0.000000e+00 : f32
    %max3A_18 = vector.broadcast %max3A : f32 to vector<4096x1xf32>
    %max3A_19 = arith.maximumf %max3A_18, %sub3A_17 : vector<4096x1xf32>
    %select_n3A_20 = arith.select %and3A, %sqrt3A, %max3A_19 : vector<4096x1xi1>, vector<4096x1xf32>
    %get3A_21 = arith.constant 0 : index
    %get3A_22 = arith.constant 0 : index
    %get3A_23 = vector.load %arg3[%get3A_21, %get3A_22] : memref<4096x1xf32, #tpu.memory_space<vmem>>, vector<4096x1xf32>
    %mul3A_24 = arith.mulf %select_n3A_20, %get3A_23 : vector<4096x1xf32>
    %reduce_sum3A_25 = vector.shape_cast %mul3A_24 : vector<4096x1xf32> to vector<1x4096x1xf32>
    %reduce_sum3A_26 = arith.constant dense<0.000000e+00> : vector<1xf32>
    %reduce_sum3A_27 = vector.multi_reduction <add>, %reduce_sum3A_25, %reduce_sum3A_26 [1, 2] : vector<1x4096x1xf32> to vector<1xf32>
    %reduce_sum3A_28 = vector.shape_cast %reduce_sum3A_27 : vector<1xf32> to vector<1x1x1xf32>
    %reduce_sum3A_29 = vector.extract %reduce_sum3A_28[0, 0, 0] : f32 from vector<1x1x1xf32>
    %sub3A_30 = arith.constant 1.000000e+00 : f32
    %sub3A_31 = vector.broadcast %sub3A_30 : f32 to vector<4096x1xf32>
    %sub3A_32 = arith.subf %sub3A_31, %get3A_23 : vector<4096x1xf32>
    %mul3A_33 = arith.mulf %select_n3A_20, %sub3A_32 : vector<4096x1xf32>
    %reduce_sum3A_34 = vector.shape_cast %mul3A_33 : vector<4096x1xf32> to vector<1x4096x1xf32>
    %reduce_sum3A_35 = arith.constant dense<0.000000e+00> : vector<1xf32>
    %reduce_sum3A_36 = vector.multi_reduction <add>, %reduce_sum3A_34, %reduce_sum3A_35 [1, 2] : vector<1x4096x1xf32> to vector<1xf32>
    %reduce_sum3A_37 = vector.shape_cast %reduce_sum3A_36 : vector<1xf32> to vector<1x1x1xf32>
    %reduce_sum3A_38 = vector.extract %reduce_sum3A_37[0, 0, 0] : f32 from vector<1x1x1xf32>
    %eq3A_39 = arith.constant 0 : i32
    %eq3A_40 = arith.cmpi eq, %arg0, %eq3A_39 : i32
    %convert_element_type3A = arith.extui %eq3A_40 : i1 to i32
    %cond3A = arith.constant 0 : i32
    %cond3A_41 = arith.cmpi ne, %convert_element_type3A, %cond3A : i32
    %cond3A_42 = scf.if %cond3A_41 -> (f32) {
      %get3A_64 = arith.constant 0 : index
      %get3A_65 = arith.constant 0 : index
      %get3A_66 = vector.load %arg4[%get3A_64, %get3A_65] : memref<8192x1xf32, #tpu.memory_space<vmem>>, vector<8192x1xf32>
      %get3A_67 = arith.constant 0 : index
      %get3A_68 = arith.constant 0 : index
      %get3A_69 = vector.load %arg5[%get3A_67, %get3A_68] : memref<8192x1xi32, #tpu.memory_space<vmem>>, vector<8192x1xi32>
      %ne3A_70 = arith.constant 0 : i32
      %ne3A_71 = vector.broadcast %ne3A_70 : i32 to vector<8192x1xi32>
      %ne3A_72 = arith.cmpi ne, %get3A_69, %ne3A_71 : vector<8192x1xi32>
      %jit3A_73 = arith.constant 1.000000e+00 : f32
      %jit3A_74 = arith.constant 0.000000e+00 : f32
      %broadcast_in_dim3A_75 = vector.broadcast %jit3A_73 : f32 to vector<8192x1xf32>
      %broadcast_in_dim3A_76 = vector.broadcast %jit3A_74 : f32 to vector<8192x1xf32>
      %select_n3A_77 = arith.select %ne3A_72, %broadcast_in_dim3A_75, %broadcast_in_dim3A_76 : vector<8192x1xi1>, vector<8192x1xf32>
      %max3A_78 = arith.constant 0.000000e+00 : f32
      %max3A_79 = vector.broadcast %max3A_78 : f32 to vector<8192x1xf32>
      %max3A_80 = arith.maximumf %get3A_66, %max3A_79 : vector<8192x1xf32>
      %mul3A_81 = arith.mulf %get3A_66, %select_n3A_77 : vector<8192x1xf32>
      %sub3A_82 = arith.subf %max3A_80, %mul3A_81 : vector<8192x1xf32>
      %abs3A = math.absf %get3A_66 : vector<8192x1xf32>
      %neg3A = arith.constant 0.000000e+00 : f32
      %neg3A_83 = vector.broadcast %neg3A : f32 to vector<8192x1xf32>
      %neg3A_84 = arith.subf %neg3A_83, %abs3A : vector<8192x1xf32>
      %exp3A = math.exp %neg3A_84 : vector<8192x1xf32>
      %log1p3A = math.log1p %exp3A : vector<8192x1xf32>
      %add3A_85 = arith.addf %sub3A_82, %log1p3A : vector<8192x1xf32>
      %reduce_sum3A_86 = vector.shape_cast %add3A_85 : vector<8192x1xf32> to vector<1x8192x1xf32>
      %reduce_sum3A_87 = arith.constant dense<0.000000e+00> : vector<1xf32>
      %reduce_sum3A_88 = vector.multi_reduction <add>, %reduce_sum3A_86, %reduce_sum3A_87 [1, 2] : vector<1x8192x1xf32> to vector<1xf32>
      %reduce_sum3A_89 = vector.shape_cast %reduce_sum3A_88 : vector<1xf32> to vector<1x1x1xf32>
      %reduce_sum3A_90 = vector.extract %reduce_sum3A_89[0, 0, 0] : f32 from vector<1x1x1xf32>
      scf.yield %reduce_sum3A_90 : f32
    } else {
      %cond3A_64 = arith.constant 0.000000e+00 : f32
      scf.yield %cond3A_64 : f32
    }
    %iota3A_43 = tpu.iota {dimensions = array<i32: 2>} : vector<1x1x128xi32>
    %eq3A_44 = arith.constant 0 : i32
    %eq3A_45 = vector.broadcast %eq3A_44 : i32 to vector<1x1x128xi32>
    %eq3A_46 = arith.cmpi eq, %iota3A_43, %eq3A_45 : vector<1x1x128xi32>
    %eq3A_47 = arith.constant 1 : i32
    %eq3A_48 = vector.broadcast %eq3A_47 : i32 to vector<1x1x128xi32>
    %eq3A_49 = arith.cmpi eq, %iota3A_43, %eq3A_48 : vector<1x1x128xi32>
    %eq3A_50 = arith.constant 2 : i32
    %eq3A_51 = vector.broadcast %eq3A_50 : i32 to vector<1x1x128xi32>
    %eq3A_52 = arith.cmpi eq, %iota3A_43, %eq3A_51 : vector<1x1x128xi32>
    %jit3A_53 = arith.constant 0.000000e+00 : f32
    %broadcast_in_dim3A_54 = vector.broadcast %cond3A_42 : f32 to vector<1x1x128xf32>
    %broadcast_in_dim3A_55 = vector.broadcast %jit3A_53 : f32 to vector<1x1x128xf32>
    %select_n3A_56 = arith.select %eq3A_52, %broadcast_in_dim3A_54, %broadcast_in_dim3A_55 : vector<1x1x128xi1>, vector<1x1x128xf32>
    %broadcast_in_dim3A_57 = vector.broadcast %reduce_sum3A_38 : f32 to vector<1x1x128xf32>
    %select_n3A_58 = arith.select %eq3A_49, %broadcast_in_dim3A_57, %select_n3A_56 : vector<1x1x128xi1>, vector<1x1x128xf32>
    %broadcast_in_dim3A_59 = vector.broadcast %reduce_sum3A_29 : f32 to vector<1x1x128xf32>
    %select_n3A_60 = arith.select %eq3A_46, %broadcast_in_dim3A_59, %select_n3A_58 : vector<1x1x128xi1>, vector<1x1x128xf32>
    %swap3A = arith.constant 0 : index
    %swap3A_61 = arith.constant 0 : index
    %swap3A_62 = arith.constant 0 : index
    %swap3A_63 = vector.load %arg6[%swap3A, %swap3A_61, %swap3A_62] : memref<1x1x128xf32, #tpu.memory_space<vmem>>, vector<1x1x128xf32>
    tpu.vector_store %arg6[%swap3A, %swap3A_61, %swap3A_62], %select_n3A_60 {strides = array<i32>} : memref<1x1x128xf32, #tpu.memory_space<vmem>>, vector<1x1x128xf32>,
    return
  }
  func.func @transform_0(%arg0: i32) -> (i32, i32) {
    %c0_i32 = arith.constant 0 : i32
    %c0_i32_0 = arith.constant 0 : i32
    return %arg0, %c0_i32 : i32, i32
  }
  func.func @transform_1(%arg0: i32) -> (i32, i32) {
    %c0_i32 = arith.constant 0 : i32
    %c0_i32_0 = arith.constant 0 : i32
    return %arg0, %c0_i32 : i32, i32
  }
  func.func @transform_2(%arg0: i32) -> (i32, i32) {
    %c0_i32 = arith.constant 0 : i32
    %c0_i32_0 = arith.constant 0 : i32
    return %arg0, %c0_i32 : i32, i32
  }
  func.func @transform_3(%arg0: i32) -> (i32, i32) {
    %c0_i32 = arith.constant 0 : i32
    %c0_i32_0 = arith.constant 0 : i32
    %c0_i32_1 = arith.constant 0 : i32
    return %c0_i32, %c0_i32_0 : i32, i32
  }
  func.func @transform_4(%arg0: i32) -> (i32, i32) {
    %c0_i32 = arith.constant 0 : i32
    %c0_i32_0 = arith.constant 0 : i32
    %c0_i32_1 = arith.constant 0 : i32
    return %c0_i32, %c0_i32_0 : i32, i32
  }
  func.func @transform_5(%arg0: i32) -> (i32, i32, i32) {
    %c0_i32 = arith.constant 0 : i32
    %c0_i32_0 = arith.constant 0 : i32
    %c0_i32_1 = arith.constant 0 : i32
    return %arg0, %c0_i32, %c0_i32_0 : i32, i32, i32
  }
}

</mosaic_0001>

<sc_bundles>
// kernel: kernel.5.cloned.1.call-start
scs
__scs_entry_jumppad:
0x0: {  	(pc) =	sbr.rel $0x88, $3  }
0x1: {  	(tag) =	ssettag $0x0;
	lr =	simm.s32 $0x1  }
0x2: {  	[smem:$0x3F9C] =	sst lr;
	_ =	strace $0xD0000000  }
0x3: {  	_ = 	snop  }
0x4: {  	_ = 	snop  }
0x5: {  	_ = 	snop  }
0x6: {  	_ = 	snop  }
0x7: {  	_ = 	snop  }
__scs_overlays_trampoline_lowered:
0x8: {  	[smem:$0x3FAB] =	sst s0  }
0x9: {  	[smem:$0x3FAC] =	sst s1  }
0xa: {  	[smem:$0x3FAD] =	sst s2  }
0xb: {  	[smem:$0x3FAE] =	sst s3  }
0xc: {  	[smem:$0x3FAF] =	sst s4  }
0xd: {  	[smem:$0x3FB0] =	sst s5  }
0xe: {  	[smem:$0x3FB1] =	sst s6  }
0xf: {  	[smem:$0x3FB2] =	sst s7  }
0x10: {  	[smem:$0x3FB3] =	sst s8  }
0x11: {  	[smem:$0x3FB4] =	sst s9;
	s0 =	simm.s32 @!p0 $0x0  }
0x12: {  	s1 =	sld [smem:$0x3F9A];
	s0 =	simm.s32 @p0 $0x1  }
0x13: {  	[smem:$0x3FB5] =	sst s0;
	s0 =	simm.s32 @!p1 $0x0  }
0x14: {  	s2 =	sld [smem:$0x3F99];
	s0 =	simm.s32 @p1 $0x1  }
0x15: {  	[smem:$0x3FB6] =	sst s0;
	s0 =	simm.s32 @!p2 $0x0  }
0x16: {  	s3 =	sld [smem:$0x3FDB];
	s0 =	simm.s32 @p2 $0x1  }
0x17: {  	s4 =	simm.s32 $0x1BF5;
	[smem:$0x3FB8] =	sst s0  }
0x18: {  	s0 =	sld [smem:$0x3F9B];
	_ =	swait.ge [sflag:s4], $0x0  }
0x19: {  	s7 =	sld [smem:$0x3F9C]  }
0x1a: {  	s8 =	sadd.s32 $0xFFFFE003, lr  }
0x1b: {  	s9 =	sadd.s32 $0xFFFFFEF7, lr;
	s5 =	simm.s32 $0xFFFFFFFF;
	p2 =	slt.u32 s8, $0xFFFFF086  }
0x1c: {  	p1 =	slt.u32 s9, $0xF7A;
	s5 =	simm.s32 @!p2 $0x0  }
0x1d: {  	s5 =	simm.s32 @p1 $0x1;
	p0 =	seq.s32 s7, s2  }
0x1e: {  	s7 =	smul.u32 @!p0 $0xF7A, s2;
	p2 =	seq.s32 @!p0 s5, $0x0  }
0x1f: {  	s9 =	smul.u32 $0xF7A, s1;
	s8 =	simm.s32 @!p0 $0x1BF5;
	p2 =	por !p2, p0  }
0x20: {  	[sflag:s8] =	ssyncset.s32 @!p0 $0xFFFFF086;
	s6 =	sadd.s32 @!p0 s3, s7;
	s7 =	simm.s32 @!p0 $0x108  }
0x21: {  	s3 =	sadd.s32 s3, s9;
	s6 =	sadd.s32 @!p0 $0x88, s6;
	s7 =	simm.s32 @p2 $0x1082  }
0x22: {  	[simem:s7], [sflag:s8] =	dma.local @!p0 [hbm:s6], $0xF7A  }
0x23: {  	s9 =	sor.u32 $0xD0000000, s2;
	s6 =	simm.s32 $0x108;
	_ =	swait.ge @!p0 [sflag:s8], $0x0  }
0x24: {  	s3 =	sadd.s32 $0x88, s3;
	s6 =	simm.s32 @!p1 $0x1082;
	[sflag:s4] =	ssyncset.s32 $0xFFFFF086  }
0x25: {  	[simem:s6], [sflag:s4] =	dma.local [hbm:s3], $0xF7A  }
0x26: {  	[smem:$0x3F9C] =	sst s1;
	(tag) =	ssettag s2;
	_ =	strace s9  }
0x27: {  	s1 =	sld [smem:$0x3FAC]  }
0x28: {  	s2 =	sld [smem:$0x3FAD]  }
0x29: {  	s4 =	sld [smem:$0x3FAF]  }
0x2a: {  	p0 =	seq.s32 s5, $0x0;
	s5 =	sld [smem:$0x3FB0]  }
0x2b: {  	s6 =	sld [smem:$0x3FB1]  }
0x2c: {  	s7 =	sld [smem:$0x3FB2]  }
0x2d: {  	s3 =	simm.s32 $0x108;
	s8 =	sld [smem:$0x3FB3]  }
0x2e: {  	s3 =	simm.s32 @!p0 $0x1082;
	s9 =	sld [smem:$0x3FB4]  }
0x2f: {  	lr =	sadd.s32 s0, s3;
	s0 =	sld [smem:$0x3FAB]  }
0x30: {  	s3 =	sld [smem:$0x3FAE]  }
0x31: {  	[smem:$0x3FB7] =	sst s10  }
0x32: {  	s10 =	sld [smem:$0x3FB5];
	_ =	sdelay $0x3  }
0x33: {  	p0 =	seq.s32 s10, $0x1;
	s10 =	sld [smem:$0x3FB7];
	_ =	sdelay $0x3  }
0x34: {  	[smem:$0x3FB7] =	sst s10  }
0x35: {  	s10 =	sld [smem:$0x3FB6];
	_ =	sdelay $0x3  }
0x36: {  	p1 =	seq.s32 s10, $0x1;
	s10 =	sld [smem:$0x3FB7];
	_ =	sdelay $0x3  }
0x37: {  	[smem:$0x3FB7] =	sst s10  }
0x38: {  	s10 =	sld [smem:$0x3FB8]  }
0x39: {  	_ = 	snop;
	(pc) =	sbr.ind lr, $3  }
0x3a: {  	_ = 	snop  }
0x3b: {  	_ = 	snop  }
0x3c: {  	p2 =	seq.s32 s10, $0x1;
	s10 =	sld [smem:$0x3FB7]  }
0x3d: {  	_ =	shalt  }
0x3e: {  	_ =	shalt  }
0x3f: {  	_ =	shalt  }
0x40: {  	_ =	shalt  }
0x41: {  	_ =	shalt  }
0x42: {  	_ =	shalt  }
0x43: {  	_ =	shalt  }
0x44: {  	_ =	shalt  }
0x45: {  	_ =	shalt  }
0x46: {  	_ =	shalt  }
0x47: {  	_ =	shalt  }
0x48: {  	_ =	shalt  }
0x49: {  	_ =	shalt  }
0x4a: {  	_ =	shalt  }
0x4b: {  	_ =	shalt  }
0x4c: {  	_ =	shalt  }
0x4d: {  	_ =	shalt  }
0x4e: {  	_ =	shalt  }
0x4f: {  	_ =	shalt  }
0x50: {  	_ =	shalt  }
0x51: {  	_ =	shalt  }
0x52: {  	_ =	shalt  }
0x53: {  	_ =	shalt  }
0x54: {  	_ =	shalt  }
0x55: {  	_ =	shalt  }
0x56: {  	_ =	shalt  }
0x57: {  	_ =	shalt  }
0x58: {  	_ =	shalt  }
0x59: {  	_ =	shalt  }
0x5a: {  	_ =	shalt  }
0x5b: {  	_ =	shalt  }
0x5c: {  	_ =	shalt  }
0x5d: {  	_ =	shalt  }
0x5e: {  	_ =	shalt  }
0x5f: {  	_ =	shalt  }
0x60: {  	_ =	shalt  }
0x61: {  	_ =	shalt  }
0x62: {  	_ =	shalt  }
0x63: {  	_ =	shalt  }
0x64: {  	_ =	shalt  }
0x65: {  	_ =	shalt  }
0x66: {  	_ =	shalt  }
0x67: {  	_ =	shalt  }
0x68: {  	_ =	shalt  }
0x69: {  	_ =	shalt  }
0x6a: {  	_ =	shalt  }
0x6b: {  	_ =	shalt  }
0x6c: {  	_ =	shalt  }
0x6d: {  	_ =	shalt  }
0x6e: {  	_ =	shalt  }
0x6f: {  	_ =	shalt  }
0x70: {  	_ =	shalt  }
0x71: {  	_ =	shalt  }
0x72: {  	_ =	shalt  }
0x73: {  	_ =	shalt  }
0x74: {  	_ =	shalt  }
0x75: {  	_ =	shalt  }
0x76: {  	_ =	shalt  }
0x77: {  	_ =	shalt  }
0x78: {  	_ =	shalt  }
0x79: {  	_ =	shalt  }
0x7a: {  	_ =	shalt  }
0x7b: {  	_ =	shalt  }
0x7c: {  	_ =	shalt  }
0x7d: {  	_ =	shalt  }
0x7e: {  	_ =	shalt  }
0x7f: {  	_ =	shalt  }
0x80: {  	_ =	shalt  }
0x81: {  	_ =	shalt  }
0x82: {  	_ =	shalt  }
0x83: {  	_ =	shalt  }
0x84: {  	_ =	shalt  }
0x85: {  	_ =	shalt  }
0x86: {  	_ =	shalt  }
0x87: {  	_ =	shalt  }
.Lfunc_end0:
.L_simem_size_0:
called_computation_lowered:
.L_overlay_start_0:
0x88: {  	s2 =	sld [smem:$0x3FD9]  }
0x89: {  	s3 =	sld [smem:$0x3FFE];
	_ =	sdelay $0x1  }
0x8a: {  	s1 =	srdreg.scid  }
0x8b: {  	s0 =	sand.u32 $0x1, s1  }
0x8c: {  	s16 =	sshll.u32 s0, $0xA;
	s2 =	sadd.s32 s3, s2  }
0x8d: {  	s2 =	sadd.s32 s2, s16  }
0x8e: {  	[smem:$0x3FC3] =	sst s2  }
0x8f: {  	_ = 	snop  }
0x90: {  	(tm) =	ssettm $0x1  }
0x91: {  	s17 =	sld [smem:$0x3FFB];
	_ =	sdelay $0x3  }
0x92: {  	_ =	strace s17  }
0x93: {  	s2 =	sld [smem:$0x3FFC];
	_ =	sdelay $0x3  }
0x94: {  	_ =	strace s2  }
0x95: {  	s2 =	sld [smem:$0x3FFD];
	_ =	sdelay $0x3  }
0x96: {  	_ =	strace s2  }
0x97: {  	_ =	strace $0x8FFFFFFF  }
0x98: {  	s18 =	sld [smem:$0x3FDB];
	_ =	sdelay $0x1  }
0x99: {  	s19 =	simm.s32 $_scs_section_size  }
0x9a: {  	s4 =	simm.s32 $_size__tile_overlayer_lowered;
	s5 =	simm.s32 $_tile_overlayer_lowered  }
0x9b: {  	s22 =	simm.s32 $0x1BFF;
	s21 =	sshll.u32 s5, $0x1;
	s2 =	sadd.s32 s19, s18  }
0x9c: {  	s6 =	simm.s32 $0x0;
	s20 =	sshll.u32 s4, $0x1;
	s4 =	sadd.s32 s21, s2  }
0x9d: {  	[timem:s6], [sflag:s22] =	dma.local [hbm:s4], s20  }
0x9e: {  	_ =	swait.ge [sflag:s22], s20  }
0x9f: {  	s3 =	ssub.s32 $0x0, s20;
	[sflag:s22] =	ssyncset.done $0x0  }
0xa0: {  	[sflag:s22] =	ssyncadd.s32 s3;
	_ =	sdelay $0x1  }
0xa1: {  	s23 =	simm.s32 $0x1B8B  }
0xa2: {  	_ =	swait.ge [sflag:s23], $0x1  }
0xa3: {  	[sflag:s23] =	ssyncset.done $0x0  }
0xa4: {  	s25 =	simm.s32 $0x1B8E;
	s24 =	sld [smem:$0x3FFE];
	[sflag:s23] =	ssyncadd.s32 $0xFFFFFFFF  }
0xa5: {  	s26 =	simm.s32 $execute0_lowered;
	[smem:$0x3FD2] =	sst s25  }
0xa6: {  	s4 =	sshll.u32 s26, $0x1;
	_ =	strace $0x80000046;
	[dreg:$0x1] =	wrdreg $0xFFFFFFFF  }
0xa7: {  	s28 =	simm.s32 $_size_execute0_lowered;
	s2 =	sadd.s32 s2, s4;
	[dreg:$0x0] =	wrdreg $0x0  }
0xa8: {  	s4 =	sshll.u32 s28, $0x1;
	[dreg:$0x2] =	wrdreg s2  }
0xa9: {  	[dreg:$0x3] =	wrdreg s4  }
0xaa: {  	[dreg:$0x4] =	wrdreg $0xC0  }
0xab: {  	_ =	task [dreg:s6], $0x5FFFF  }
0xac: {  	[dreg:$0x1] =	wrdreg $0xFFFFFFFF  }
0xad: {  	[dreg:$0x0] =	wrdreg $0x60  }
0xae: {  	[dreg:$0x2] =	wrdreg s24  }
0xaf: {  	[dreg:$0x3] =	wrdreg $0x9  }
0xb0: {  	_ =	task.clear_ibuf [dreg:s6], $0x4FFFF;
	_ =	strace $0x90000046  }
0xb1: {  	s29 =	simm.s32 $0x9;
	_ =	strace $0x80000048  }
0xb2: {  	_ =	swait.ge [sflag:s29], $0x1  }
0xb3: {  	[sflag:s29] =	ssyncadd.s32 $0xFFFFFFFF  }
0xb4: {  	_ =	strace $0x90000048  }
0xb5: {  	_ =	sfence  }
0xb6: {  	s30 =	sld [smem:$0x0];
	_ =	sdelay $0x2  }
0xb7: {  	s31 =	sshll.u32 s1, $0xD;
	s1 =	sshrl.u32 s1, $0x2  }
0xb8: {  	s3 =	sand.u32 $0x4000, s31;
	s1 =	sadd.s32 s1, s30  }
0xb9: {  	s0 =	sor.u32 s3, s0;
	s1 =	sshll.u32 s1, $0x11  }
0xba: {  	s0 =	sor.u32 s1, s0  }
0xbb: {  	s0 =	sadd.s32 $0x8F2B, s0  }
0xbc: {  	[sflag:s0] =	ssyncadd.remote.s32 $0x1  }
0xbd: {  	_ =	sfence.sel $0xFFFF  }
0xbe: {  	[dreg:$0x0] =	wrdreg $0xFFFFFFFF;
	(pc) =	sbr.abs _section_cstart, $3  }
0xbf: {  	[dreg:$0x1] =	wrdreg $0xFFFFFFFF  }
0xc0: {  	_ =	task.clear_ibuf [dreg:s6], $0x2FFFF;
	_ =	strace $0x9FFFFFFF  }
0xc1: {  	(tm) =	ssettm $0x7FFFFFFF  }
tec
execute0_lowered:
.L_overlay_start_1:
0x0: {  	(tag) =	ssettag $0x1  }
0x1: {  	s1 =	srdreg.scid  }
0x2: {  	s0 =	stileid.u32;
	s2 =	rddreg [dreg:$0x0];
	s3 =	simm.s32 $0x0  }
0x3: {  	s9 =	simm.s32 $0x2;
	s10 =	simm.s32 $0x180;
	s11 =	simm.s32 $0x300  }
0x4: {  	s12 =	simm.s32 $0xC300;
	s13 =	simm.s32 $0x1;
	s5 =	smul.u32 $0x1800, s0  }
0x5: {  	s4 =	sand.u32 $0x1, s1;
	s1 =	rddreg [dreg:$0x1];
	s7 =	smul.u32 $0x18000, s0  }
0x6: {  	s14 =	simm.s32 $0x0;
	[smem:$0x7FF] =	sst s3;
	s6 =	smul.u32 $0xC00, s4  }
0x7: {  	_ =	strace $0x80000047;
	s8 =	ssub.s32 $0x2, s4;
	s4 =	smul.u32 $0xC000, s4  }
0x8: {  	s29 =	sadd.s32 s7, s2;
	s30 =	sshrl.u32 s8, $0x1;
	s5 =	sadd.s32 s6, s5  }
0x9: {  	s7 =	ssub.s32 s8, s30;
	s6 =	sadd.s32 s4, s29;
	s5 =	sshrl.u32 s5, $0x3  }
0xa: {  	s4 =	smax.u32 s7, $0x1;
	s31 =	sadd.s32 s5, s2;
	s5 =	sadd.s32 $0x26000, s6  }
0xb: {  	s6 =	sadd.s32 $0x1A6000, s6;
	s7 =	sadd.s32 $0x23000, s31;
	s8 =	sadd.s32 $0x20000, s31  }
.LBB2_1:
0xc: {  	s15 =	sadd.s32 $0x0, s8  }
0xd: {  	[tilespmem:s3], [sflag:$0x2] =	stream.linear.gather [hbm4b:s15+s3], $0x180, $0x38;
	[tilespmem:$0x18300] =	vst v63  }
0xe: {  	_ =	swait.ge [sflag:s9], $0x180  }
0xf: {  	[sflag:s9] =	ssyncset.done $0x0  }
0x10: {  	s31 =	sadd.s32 $0x0, s7;
	[sflag:s9] =	ssyncadd.s32 $0xFFFFFE80  }
0x11: {  	[tilespmem:s10], [sflag:$0x2] =	stream.linear.gather [hbm4b:s31+s3], $0x180, $0x38;
	[tilespmem:$0x18300] =	vst v63  }
0x12: {  	_ =	swait.ge [sflag:s9], $0x180  }
0x13: {  	[sflag:s9] =	ssyncset.done $0x0  }
0x14: {  	[sflag:s9] =	ssyncadd.s32 $0xFFFFFE80  }
0x15: {  	[tilespmem:s11], [sflag:$0x1] =	stream.indirect.gather [hbm4b:s2+s10], $0x80, s3, s10, $0xb8;
	[tilespmem:$0x18300] =	vst v63  }
0x16: {  	_ = 	snop  }
0x17: {  	[tilespmem:s12], [sflag:$0x1] =	stream.indirect.gather [hbm4b:s2+s10], $0x80, s10, s10, $0xb8;
	[tilespmem:$0x18300] =	vst v63  }
0x18: {  	_ =	swait.ge [sflag:s13], $0xC000  }
0x19: {  	[sflag:s13] =	ssyncset.done $0x0  }
0x1a: {  	[sflag:s13] =	ssyncadd.s32 $0xFFFF4000  }
0x1b: {  	_ =	swait.ge [sflag:s13], $0xC000  }
0x1c: {  	[sflag:s13] =	ssyncset.done $0x0  }
0x1d: {  	[sflag:s13] =	ssyncadd.s32 $0xFFFF4000  }
0x1e: {  	[hbm4b:s5+s3] =	stream.linear.scatter [tilespmem:s11], [sflag:$0x2], $0xC000, $0x38;
	[tilespmem:$0x18300] =	vst v63  }
0x1f: {  	_ =	swait.ge [sflag:s9], $0xC000  }
0x20: {  	[sflag:s9] =	ssyncset.done $0x0  }
0x21: {  	[sflag:s9] =	ssyncadd.s32 $0xFFFF4000  }
0x22: {  	[hbm4b:s6+s3] =	stream.linear.scatter [tilespmem:s12], [sflag:$0x2], $0xC000, $0x38;
	[tilespmem:$0x18300] =	vst v63  }
0x23: {  	s17 =	simm.s32 $0x30;
	s18 =	simm.s32 $0x60;
	_ =	swait.ge [sflag:s9], $0xC000  }
0x24: {  	s16 =	sadd.s32 $0x1800, s5;
	s15 =	sadd.s32 $0x1800, s6;
	[sflag:s9] =	ssyncset.done $0x0  }
.LBB2_2:
0x25: {  	s19 =	sadd.s32 s17, s8  }
0x26: {  	[sflag:s9] =	ssyncadd.s32 $0xFFFF4000;
	s20 =	smov.u32 s18;
	s21 =	sadd.s32 $0x30, s18  }
0x27: {  	[tilespmem:s3], [sflag:$0x2] =	stream.linear.gather [hbm4b:s19+s3], $0x180, $0x38;
	[tilespmem:$0x18300] =	vst v63  }
0x28: {  	p0 =	sne.s32 s18, $0x150;
	_ =	swait.ge [sflag:s9], $0x180  }
0x29: {  	[sflag:s9] =	ssyncset.done $0x0  }
0x2a: {  	s18 =	sadd.s32 s17, s7;
	s17 =	smov.u32 s20;
	[sflag:s9] =	ssyncadd.s32 $0xFFFFFE80  }
0x2b: {  	[tilespmem:s10], [sflag:$0x2] =	stream.linear.gather [hbm4b:s18+s3], $0x180, $0x38;
	[tilespmem:$0x18300] =	vst v63  }
0x2c: {  	_ =	swait.ge [sflag:s9], $0x180  }
0x2d: {  	[sflag:s9] =	ssyncset.done $0x0  }
0x2e: {  	[sflag:s9] =	ssyncadd.s32 $0xFFFFFE80  }
0x2f: {  	[tilespmem:s11], [sflag:$0x1] =	stream.indirect.gather [hbm4b:s2+s10], $0x80, s3, s10, $0xb8;
	[tilespmem:$0x18300] =	vst v63  }
0x30: {  	_ = 	snop  }
0x31: {  	[tilespmem:s12], [sflag:$0x1] =	stream.indirect.gather [hbm4b:s2+s10], $0x80, s10, s10, $0xb8;
	[tilespmem:$0x18300] =	vst v63  }
0x32: {  	_ =	swait.ge [sflag:s13], $0xC000  }
0x33: {  	[sflag:s13] =	ssyncset.done $0x0  }
0x34: {  	[sflag:s13] =	ssyncadd.s32 $0xFFFF4000  }
0x35: {  	_ =	swait.ge [sflag:s13], $0xC000  }
0x36: {  	[sflag:s13] =	ssyncset.done $0x0  }
0x37: {  	[sflag:s13] =	ssyncadd.s32 $0xFFFF4000  }
0x38: {  	[hbm4b:s16+s3] =	stream.linear.scatter [tilespmem:s11], [sflag:$0x2], $0xC000, $0x38;
	[tilespmem:$0x18300] =	vst v63  }
0x39: {  	_ =	swait.ge [sflag:s9], $0xC000  }
.Ltmp0:
0x3a: {  	[sflag:s9] =	ssyncset.done $0x0;
	(pc) =	sbr.rel @p0 .LBB2_2-.Ltmp0, $4  }
0x3b: {  	[sflag:s9] =	ssyncadd.s32 $0xFFFF4000  }
0x3c: {  	[hbm4b:s15+s3] =	stream.linear.scatter [tilespmem:s12], [sflag:$0x2], $0xC000, $0x38;
	[tilespmem:$0x18300] =	vst v63  }
0x3d: {  	s18 =	smov.u32 s21;
	_ =	swait.ge [sflag:s9], $0xC000  }
0x3e: {  	s16 =	sadd.s32 $0x1800, s16;
	s15 =	sadd.s32 $0x1800, s15;
	[sflag:s9] =	ssyncset.done $0x0  }
0x3f: {  	s18 =	sadd.s32 s17, s8;
	[sflag:s9] =	ssyncadd.s32 $0xFFFF4000  }
0x40: {  	[tilespmem:s3], [sflag:$0x2] =	stream.linear.gather [hbm4b:s18+s3], $0x180, $0x38;
	[tilespmem:$0x18300] =	vst v63  }
0x41: {  	_ =	swait.ge [sflag:s9], $0x180  }
0x42: {  	[sflag:s9] =	ssyncset.done $0x0  }
0x43: {  	s31 =	sadd.s32 s17, s7;
	[sflag:s9] =	ssyncadd.s32 $0xFFFFFE80  }
0x44: {  	[tilespmem:s10], [sflag:$0x2] =	stream.linear.gather [hbm4b:s31+s3], $0x180, $0x38;
	[tilespmem:$0x18300] =	vst v63  }
0x45: {  	_ =	swait.ge [sflag:s9], $0x180  }
0x46: {  	[sflag:s9] =	ssyncset.done $0x0  }
0x47: {  	[sflag:s9] =	ssyncadd.s32 $0xFFFFFE80  }
0x48: {  	[tilespmem:s11], [sflag:$0x1] =	stream.indirect.gather [hbm4b:s2+s10], $0x80, s3, s10, $0xb8;
	[tilespmem:$0x18300] =	vst v63  }
0x49: {  	_ = 	snop  }
0x4a: {  	[tilespmem:s12], [sflag:$0x1] =	stream.indirect.gather [hbm4b:s2+s10], $0x80, s10, s10, $0xb8;
	[tilespmem:$0x18300] =	vst v63  }
0x4b: {  	_ =	swait.ge [sflag:s13], $0xC000  }
0x4c: {  	[sflag:s13] =	ssyncset.done $0x0  }
0x4d: {  	[sflag:s13] =	ssyncadd.s32 $0xFFFF4000  }
0x4e: {  	_ =	swait.ge [sflag:s13], $0xC000  }
0x4f: {  	[sflag:s13] =	ssyncset.done $0x0  }
0x50: {  	[sflag:s13] =	ssyncadd.s32 $0xFFFF4000  }
0x51: {  	[hbm4b:s16+s3] =	stream.linear.scatter [tilespmem:s11], [sflag:$0x2], $0xC000, $0x38;
	[tilespmem:$0x18300] =	vst v63  }
0x52: {  	s14 =	sadd.s32 $0x1, s14;
	_ =	swait.ge [sflag:s9], $0xC000  }
0x53: {  	p0 =	sne.s32 s14, s4;
	[sflag:s9] =	ssyncset.done $0x0  }
.Ltmp1:
0x54: {  	[sflag:s9] =	ssyncadd.s32 $0xFFFF4000;
	(pc) =	sbr.rel @p0 .LBB2_1-.Ltmp1, $4  }
0x55: {  	[hbm4b:s15+s3] =	stream.linear.scatter [tilespmem:s12], [sflag:$0x2], $0xC000, $0x38;
	[tilespmem:$0x18300] =	vst v63  }
0x56: {  	_ =	swait.ge [sflag:s9], $0xC000  }
0x57: {  	[sflag:s9] =	ssyncset.done $0x0  }
0x58: {  	[sflag:s9] =	ssyncadd.s32 $0xFFFF4000  }
0x59: {  	_ =	sfence.sel $0x180000  }
0x5a: {  	[bflag:$0x0] =	sbarrier.arrive $0xFFFF  }
0x5b: {  	p0 =	sne.s32 s0, $0x0;
	_ =	strace $0x90000047  }
0x5c: {  	s0 =	sadd.s32 @!p0 $0x100000, s1;
	[bflag:$0x2] =	sbarrier.arrive $0xFFFF  }
0x5d: {  	[sflag:s0] =	ssyncadd.tile.s32 @!p0 $0x1;
	_ =	shalt  }
.Lfunc_end2:
_tile_overlayer_lowered:
.L_overlay_start_2:
0x5e: {  	(tag) =	ssettag $0x2  }
0x5f: {  	s0 =	rddreg [dreg:$0x0];
	s2 =	stileid.u32  }
0x60: {  	s1 =	rddreg [dreg:$0x1];
	p0 =	sne.s32 s2, $0x0  }
0x61: {  	s3 =	rddreg [dreg:$0x2];
	[bflag:$0x3] =	sbarrier.arrive $0xFFFF;
	s2 =	simm.s32 @!p0 $0x1C02  }
0x62: {  	[timem:s3], [sflag:s2] =	dma.local @!p0 [hbm:s0], s1  }
0x63: {  	s0 =	simm.s32 @!p0 $0x2  }
0x64: {  	_ =	swait.ge @!p0 [sflag:s0], s1  }
0x65: {  	s1 =	ssub.s32 @!p0 $0x0, s1;
	[sflag:s0] =	ssyncset.done @!p0 $0x0  }
0x66: {  	[sflag:s0] =	ssyncadd.s32 @!p0 s1  }
0x67: {  	[bflag:$0x3] =	sbarrier.arrive $0xFFFF  }
0x68: {  	_ =	shalt  }

</sc_bundles>
